<compile_context>
chip_gen: v7x
topology: tpu7x:2x2x1
jax: 0.10.2.dev20260603
libtpu: 0.0.44.dev20260713+nightly
codegen_flags: <defaults>
</compile_context>

<pallas_src>
import dataclasses
import functools

import jax
import jax.numpy as jnp
from jax import lax
from jax.experimental import pallas as pl
from jax.experimental.pallas import tpu as pltpu
from jax.experimental.pallas import tpu_sc as plsc

_N = 10000
_E = 320000
_D = 128
_DH = _D // 2
_R = 0.5

_NC = 2
_NS = 16
_C = 80
_EPW = _E // _NS
_NCH = _EPW // _C
_NPW = _N // _NS


def _pre_body(x_ref, w_ref, p_ref):
    p_ref[...] = lax.dot_general(
        w_ref[...], x_ref[...], (((1,), (1,)), ((), ())),
        preferred_element_type=jnp.float32)


_pre = pl.pallas_call(
    _pre_body,
    out_shape=jax.ShapeDtypeStruct((2, _N), jnp.float32),
)


def _sc_body(xh_hbm, srcr_hbm, dstr_hbm, p1_hbm, p2_hbm, z2d_hbm, z1d_hbm,
             att_hbm, agg_hbm, asum_hbm, deg_hbm,
             idxs_v, idxd_v, p1_v, p2_v, att_v, rows_v, ones_v,
             agg_sh, nsum_sh, sem):
    c = lax.axis_index("c")
    s = lax.axis_index("s")
    w = c * _NS + s

    pltpu.sync_copy(srcr_hbm.at[s], idxs_v)
    pltpu.sync_copy(dstr_hbm.at[s], idxd_v)
    pltpu.sync_copy(p1_hbm, p1_v)
    pltpu.sync_copy(p2_hbm, p2_v)

    for g in range(_C // 16):
        ones_v[pl.ds(g * 16, 16)] = jnp.ones((16,), jnp.float32)

    pltpu.sync_copy(z2d_hbm.at[s], agg_sh.at[pl.ds(s * _NPW, _NPW)])

    @pl.when(s == 0)
    def _():
        pltpu.sync_copy(z1d_hbm, nsum_sh)

    plsc.subcore_barrier()

    @pl.loop(0, _NCH)
    def _chunk(j):
        for g in range(_C // 16):
            sl = pl.ds(g * 16, 16)
            s16 = idxs_v[j, sl]
            d16 = idxd_v[j, sl]
            z = plsc.load_gather(p1_v, [s16]) + plsc.load_gather(p2_v, [d16])
            ez = jnp.exp(-jnp.abs(z))
            att_v[j, sl] = jnp.where(z >= 0, 1.0, ez) / (1.0 + ez)

        pltpu.async_copy(xh_hbm.at[c].at[idxs_v.at[j]], rows_v, sem).wait()

        @pl.loop(0, _C)
        def _row(i):
            a16 = plsc.load_gather(
                att_v, [jnp.full((16,), j, jnp.int32),
                        jnp.full((16,), i, jnp.int32)])
            for seg in range(_DH // 16):
                sl = pl.ds(seg * 16, 16)
                rows_v[i, sl] = rows_v[i, sl] * a16

        pltpu.sync_copy(rows_v, agg_sh.at[idxd_v.at[j]], add=True)

        @pl.when(c == 0)
        def _():
            pltpu.sync_copy(att_v.at[j], nsum_sh.at[idxs_v.at[j]], add=True)

        @pl.when(c == 1)
        def _():
            pltpu.sync_copy(ones_v, nsum_sh.at[idxs_v.at[j]], add=True)

    @pl.when(c == 0)
    def _():
        pltpu.sync_copy(att_v, att_hbm.at[s])

    plsc.subcore_barrier()

    pltpu.sync_copy(agg_sh.at[pl.ds(s * _NPW, _NPW)], agg_hbm.at[w])

    @pl.when(s == 0)
    def _():
        @pl.when(c == 0)
        def _():
            pltpu.sync_copy(nsum_sh, asum_hbm)

        @pl.when(c == 1)
        def _():
            pltpu.sync_copy(nsum_sh, deg_hbm)


_sc_params = pltpu.CompilerParams()
if "needs_layout_passes" in pltpu.CompilerParams.__dataclass_fields__:
    _sc_params = dataclasses.replace(_sc_params, needs_layout_passes=False)
if "use_tc_tiling_on_sc" in pltpu.CompilerParams.__dataclass_fields__:
    _sc_params = dataclasses.replace(_sc_params, use_tc_tiling_on_sc=False)

_sc_main = pl.kernel(
    _sc_body,
    compiler_params=_sc_params,
    out_type=[
        jax.ShapeDtypeStruct((_NS, _NCH, _C), jnp.float32),
        jax.ShapeDtypeStruct((_NC * _NS, _NPW, _DH), jnp.float32),
        jax.ShapeDtypeStruct((_N,), jnp.float32),
        jax.ShapeDtypeStruct((_N,), jnp.float32),
    ],
    mesh=plsc.VectorSubcoreMesh(core_axis_name="c", subcore_axis_name="s"),
    scratch_types=[
        pltpu.VMEM((_NCH, _C), jnp.int32),
        pltpu.VMEM((_NCH, _C), jnp.int32),
        pltpu.VMEM((_N,), jnp.float32),
        pltpu.VMEM((_N,), jnp.float32),
        pltpu.VMEM((_NCH, _C), jnp.float32),
        pltpu.VMEM((_C, _DH), jnp.float32),
        pltpu.VMEM((_C,), jnp.float32),
        pltpu.VMEM_SHARED((_N, _DH), jnp.float32),
        pltpu.VMEM_SHARED((_N,), jnp.float32),
        pltpu.SemaphoreType.DMA,
    ],
)


def _post_body(agg_ref, att_ref, asum_ref, deg_ref, wmsg_ref,
               emb_ref, natt_ref, info_ref):
    wm = wmsg_ref[...]
    emb_ref[...] = (
        jnp.dot(agg_ref[0], wm[0:_DH, :], preferred_element_type=jnp.float32)
        + jnp.dot(agg_ref[1], wm[_DH:_D, :],
                  preferred_element_type=jnp.float32))
    natt_ref[...] = asum_ref[...] / jnp.maximum(deg_ref[...], 1.0)
    a = att_ref[...]
    f = (a * jnp.log(a / _R + 1e-6)
         + (1.0 - a) * jnp.log((1.0 - a) / (1.0 - _R + 1e-6) + 1e-6))
    info_ref[...] = (jnp.sum(f) / float(_E)).reshape(1, 1)


_post = pl.pallas_call(
    _post_body,
    out_shape=[
        jax.ShapeDtypeStruct((_N, _D), jnp.float32),
        jax.ShapeDtypeStruct((_N,), jnp.float32),
        jax.ShapeDtypeStruct((1, 1), jnp.float32),
    ],
)


def kernel(x, edge_index, W_ext, W_msg):
    srcr = edge_index[0].reshape(_NS, _NCH, _C)
    dstr = edge_index[1].reshape(_NS, _NCH, _C)
    xh = jnp.stack([x[:, :_DH], x[:, _DH:]])
    w2 = W_ext.reshape(2, _D)
    p = _pre(x, w2)
    z2d = jnp.zeros((_NS, _NPW, _DH), jnp.float32)
    z1d = jnp.zeros((_N,), jnp.float32)
    att3d, aggf, asum, deg = _sc_main(xh, srcr, dstr, p[0], p[1], z2d, z1d)
    emb, natt, info = _post(aggf.reshape(_NC, _N, _DH), att3d,
                            asum, deg, W_msg)
    return emb, att3d.reshape(_E, 1), natt, info.reshape(())

# --- scband reference (transcript-rebuilt; emitter-appended) ---
"""Pipeline reference for scband-gsat-42597485642492 (READ-ONLY COPY).

The authoritative reference and input builder live on the scoring server;
editing this copy changes nothing except your own understanding.
"""

import jax, jax.numpy as jnp
import numpy as np

N = 10000
E = 320000
D = 128
R = 0.5


def setup_inputs(seed: int = 0) -> dict:
    key = jax.random.key(seed)
    k1, k2, k3, k4 = jax.random.split(key, 4)
    x = jax.random.normal(k1, (N, D), dtype=jnp.float32)
    edge_index = jax.random.randint(k2, (2, E), 0, N, dtype=jnp.int32)
    # extractor MLP weight: maps concat(src_emb, dst_emb) -> edge attention logit
    W_ext = jax.random.normal(k3, (2 * D, 1), dtype=jnp.float32) * 0.02
    # clf message-passing projection weight
    W_msg = jax.random.normal(k4, (D, D), dtype=jnp.float32) * 0.02
    return {"x": x, "edge_index": edge_index, "W_ext": W_ext, "W_msg": W_msg}


def reference(x, edge_index, W_ext, W_msg):
    src = edge_index[0]
    dst = edge_index[1]
    # gather node embeddings to edges (SparseCore gather)
    h_src = jnp.take(x, src, axis=0)  # [E, D]
    h_dst = jnp.take(x, dst, axis=0)  # [E, D]
    # extractor: edge attention logits from concatenated endpoint features
    feats = jnp.concatenate([h_src, h_dst], axis=-1)  # [E, 2D]
    att_log_logits = feats @ W_ext  # [E, 1]
    # sampling (eval mode): deterministic sigmoid of concrete-distribution logits
    att = jax.nn.sigmoid(att_log_logits)  # [E, 1]
    edge_att = att  # learn_edge_att=True, directed graph branch
    # attention-weighted message passing: scatter-add over dst nodes
    msgs = h_src * edge_att  # [E, D]
    agg = jax.ops.segment_sum(msgs, dst, num_segments=N)  # [N, D]
    emb = agg @ W_msg  # [N, D]
    # node_att = scatter(att, edge_index[0], reduce='mean')
    att_sum = jax.ops.segment_sum(att[:, 0], src, num_segments=N)
    deg = jax.ops.segment_sum(jnp.ones((E,), dtype=jnp.float32), src, num_segments=N)
    node_att = att_sum / jnp.maximum(deg, 1.0)  # [N]
    # GSAT information (KL) loss on edge attention
    r = R
    info_loss = (att * jnp.log(att / r + 1e-6)
                 + (1.0 - att) * jnp.log((1.0 - att) / (1.0 - r + 1e-6) + 1e-6)).mean()
    return emb, edge_att, node_att, info_loss

if __name__ == "__main__":
    import jax
    _d = setup_inputs()
    print(jax.jit(kernel)(*tuple(_d.values())))

</pallas_src>

<mosaic_0001>
#map = affine_map<(d0, d1) -> (0, 0, 0)>
#map1 = affine_map<(d0, d1) -> (0)>
module attributes {stable_mosaic.version = 14 : i64} {
  func.func @_sc_body(%arg0: i32, %arg1: i32, %arg2: memref<2x10000x64xf32, #tpu.memory_space<hbm>>, %arg3: memref<16x250x80xi32, #tpu.memory_space<hbm>>, %arg4: memref<16x250x80xi32, #tpu.memory_space<hbm>>, %arg5: memref<10000xf32, #tpu.memory_space<hbm>>, %arg6: memref<10000xf32, #tpu.memory_space<hbm>>, %arg7: memref<16x625x64xf32, #tpu.memory_space<hbm>>, %arg8: memref<10000xf32, #tpu.memory_space<hbm>>, %arg9: memref<16x250x80xf32, #tpu.memory_space<hbm>>, %arg10: memref<32x625x64xf32, #tpu.memory_space<hbm>>, %arg11: memref<10000xf32, #tpu.memory_space<hbm>>, %arg12: memref<10000xf32, #tpu.memory_space<hbm>>, %arg13: memref<250x80xi32, #tpu.memory_space<vmem>>, %arg14: memref<250x80xi32, #tpu.memory_space<vmem>>, %arg15: memref<10000xf32, #tpu.memory_space<vmem>>, %arg16: memref<10000xf32, #tpu.memory_space<vmem>>, %arg17: memref<250x80xf32, #tpu.memory_space<vmem>>, %arg18: memref<80x64xf32, #tpu.memory_space<vmem>>, %arg19: memref<80xf32, #tpu.memory_space<vmem>>, %arg20: memref<10000x64xf32, #tpu.memory_space<vmem_shared>>, %arg21: memref<10000xf32, #tpu.memory_space<vmem_shared>>, %arg22: memref<!tpu.dma_semaphore, #tpu.memory_space<semaphore_mem>>) attributes {dimension_semantics = [#tpu.dimension_semantics<core_parallel>, #tpu.dimension_semantics<subcore_parallel>], iteration_bounds = array<i64: 2, 16>, scalar_prefetch = 0 : i64, scratch_operands = 10 : i64, tpu.core_type = #tpu.core_type<sc_vector_subcore>, window_params = [{transform_indices = #map}, {transform_indices = #map}, {transform_indices = #map}, {transform_indices = #map1}, {transform_indices = #map1}, {transform_indices = #map}, {transform_indices = #map1}, {transform_indices = #map}, {transform_indices = #map}, {transform_indices = #map1}, {transform_indices = #map1}]} {
    %mul3A = arith.constant 16 : i32
    %mul3A_0 = arith.muli %arg0, %mul3A : i32
    %add3A = arith.addi %mul3A_0, %arg1 : i32
    "tpu.region"() ({
      %run_scoped3A = tpu.sem_alloc : memref<!tpu.dma_semaphore, #tpu.memory_space<semaphore_mem>>
      %dma_start3A = arith.constant 0 : i32
      %dma_start3A_40 = arith.constant 0 : i32
      %dma_start3A_41 = tpu.memref_slice %arg3[%arg1, %dma_start3A, %dma_start3A_40] : memref<16x250x80xi32, #tpu.memory_space<hbm>> -> memref<1x250x80xi32, #tpu.memory_space<hbm>>
      %dma_start3A_42 = tpu.memref_squeeze %dma_start3A_41 : memref<1x250x80xi32, #tpu.memory_space<hbm>> -> memref<250x80xi32, #tpu.memory_space<hbm>>
      %dma_start3A_43 = arith.constant 0 : i32
      %dma_start3A_44 = arith.constant 0 : i32
      %dma_start3A_45 = tpu.memref_slice %arg3[%arg1, %dma_start3A_43, %dma_start3A_44] : memref<16x250x80xi32, #tpu.memory_space<hbm>> -> memref<1x250x80xi32, #tpu.memory_space<hbm>>
      %dma_start3A_46 = tpu.memref_squeeze %dma_start3A_45 : memref<1x250x80xi32, #tpu.memory_space<hbm>> -> memref<250x80xi32, #tpu.memory_space<hbm>>
      tpu.enqueue_dma source(%dma_start3A_46 : memref<250x80xi32, #tpu.memory_space<hbm>>) target(%arg13 : memref<250x80xi32, #tpu.memory_space<vmem>>) target_semaphore(%run_scoped3A : memref<!tpu.dma_semaphore, #tpu.memory_space<semaphore_mem>>)
      %dma_wait3A = arith.constant 0 : i32
      %dma_wait3A_47 = arith.constant 0 : i32
      %dma_wait3A_48 = tpu.memref_slice %arg3[%arg1, %dma_wait3A, %dma_wait3A_47] : memref<16x250x80xi32, #tpu.memory_space<hbm>> -> memref<1x250x80xi32, #tpu.memory_space<hbm>>
      %dma_wait3A_49 = tpu.memref_squeeze %dma_wait3A_48 : memref<1x250x80xi32, #tpu.memory_space<hbm>> -> memref<250x80xi32, #tpu.memory_space<hbm>>
      %dma_wait3A_50 = arith.constant 0 : i32
      %dma_wait3A_51 = arith.constant 0 : i32
      %dma_wait3A_52 = tpu.memref_slice %arg3[%arg1, %dma_wait3A_50, %dma_wait3A_51] : memref<16x250x80xi32, #tpu.memory_space<hbm>> -> memref<1x250x80xi32, #tpu.memory_space<hbm>>
      %dma_wait3A_53 = tpu.memref_squeeze %dma_wait3A_52 : memref<1x250x80xi32, #tpu.memory_space<hbm>> -> memref<250x80xi32, #tpu.memory_space<hbm>>
      tpu.wait_dma2 semaphore(%run_scoped3A : memref<!tpu.dma_semaphore, #tpu.memory_space<semaphore_mem>>) src(%dma_wait3A_53 : memref<250x80xi32, #tpu.memory_space<hbm>>) dst(%arg13 : memref<250x80xi32, #tpu.memory_space<vmem>>)
      tpu.yield
    }) : () -> ()
    "tpu.region"() ({
      %run_scoped3A = tpu.sem_alloc : memref<!tpu.dma_semaphore, #tpu.memory_space<semaphore_mem>>
      %dma_start3A = arith.constant 0 : i32
      %dma_start3A_40 = arith.constant 0 : i32
      %dma_start3A_41 = tpu.memref_slice %arg4[%arg1, %dma_start3A, %dma_start3A_40] : memref<16x250x80xi32, #tpu.memory_space<hbm>> -> memref<1x250x80xi32, #tpu.memory_space<hbm>>
      %dma_start3A_42 = tpu.memref_squeeze %dma_start3A_41 : memref<1x250x80xi32, #tpu.memory_space<hbm>> -> memref<250x80xi32, #tpu.memory_space<hbm>>
      %dma_start3A_43 = arith.constant 0 : i32
      %dma_start3A_44 = arith.constant 0 : i32
      %dma_start3A_45 = tpu.memref_slice %arg4[%arg1, %dma_start3A_43, %dma_start3A_44] : memref<16x250x80xi32, #tpu.memory_space<hbm>> -> memref<1x250x80xi32, #tpu.memory_space<hbm>>
      %dma_start3A_46 = tpu.memref_squeeze %dma_start3A_45 : memref<1x250x80xi32, #tpu.memory_space<hbm>> -> memref<250x80xi32, #tpu.memory_space<hbm>>
      tpu.enqueue_dma source(%dma_start3A_46 : memref<250x80xi32, #tpu.memory_space<hbm>>) target(%arg14 : memref<250x80xi32, #tpu.memory_space<vmem>>) target_semaphore(%run_scoped3A : memref<!tpu.dma_semaphore, #tpu.memory_space<semaphore_mem>>)
      %dma_wait3A = arith.constant 0 : i32
      %dma_wait3A_47 = arith.constant 0 : i32
      %dma_wait3A_48 = tpu.memref_slice %arg4[%arg1, %dma_wait3A, %dma_wait3A_47] : memref<16x250x80xi32, #tpu.memory_space<hbm>> -> memref<1x250x80xi32, #tpu.memory_space<hbm>>
      %dma_wait3A_49 = tpu.memref_squeeze %dma_wait3A_48 : memref<1x250x80xi32, #tpu.memory_space<hbm>> -> memref<250x80xi32, #tpu.memory_space<hbm>>
      %dma_wait3A_50 = arith.constant 0 : i32
      %dma_wait3A_51 = arith.constant 0 : i32
      %dma_wait3A_52 = tpu.memref_slice %arg4[%arg1, %dma_wait3A_50, %dma_wait3A_51] : memref<16x250x80xi32, #tpu.memory_space<hbm>> -> memref<1x250x80xi32, #tpu.memory_space<hbm>>
      %dma_wait3A_53 = tpu.memref_squeeze %dma_wait3A_52 : memref<1x250x80xi32, #tpu.memory_space<hbm>> -> memref<250x80xi32, #tpu.memory_space<hbm>>
      tpu.wait_dma2 semaphore(%run_scoped3A : memref<!tpu.dma_semaphore, #tpu.memory_space<semaphore_mem>>) src(%dma_wait3A_53 : memref<250x80xi32, #tpu.memory_space<hbm>>) dst(%arg14 : memref<250x80xi32, #tpu.memory_space<vmem>>)
      tpu.yield
    }) : () -> ()
    "tpu.region"() ({
      %run_scoped3A = tpu.sem_alloc : memref<!tpu.dma_semaphore, #tpu.memory_space<semaphore_mem>>
      tpu.enqueue_dma source(%arg5 : memref<10000xf32, #tpu.memory_space<hbm>>) target(%arg15 : memref<10000xf32, #tpu.memory_space<vmem>>) target_semaphore(%run_scoped3A : memref<!tpu.dma_semaphore, #tpu.memory_space<semaphore_mem>>)
      tpu.wait_dma2 semaphore(%run_scoped3A : memref<!tpu.dma_semaphore, #tpu.memory_space<semaphore_mem>>) src(%arg5 : memref<10000xf32, #tpu.memory_space<hbm>>) dst(%arg15 : memref<10000xf32, #tpu.memory_space<vmem>>)
      tpu.yield
    }) : () -> ()
    "tpu.region"() ({
      %run_scoped3A = tpu.sem_alloc : memref<!tpu.dma_semaphore, #tpu.memory_space<semaphore_mem>>
      tpu.enqueue_dma source(%arg6 : memref<10000xf32, #tpu.memory_space<hbm>>) target(%arg16 : memref<10000xf32, #tpu.memory_space<vmem>>) target_semaphore(%run_scoped3A : memref<!tpu.dma_semaphore, #tpu.memory_space<semaphore_mem>>)
      tpu.wait_dma2 semaphore(%run_scoped3A : memref<!tpu.dma_semaphore, #tpu.memory_space<semaphore_mem>>) src(%arg6 : memref<10000xf32, #tpu.memory_space<hbm>>) dst(%arg16 : memref<10000xf32, #tpu.memory_space<vmem>>)
      tpu.yield
    }) : () -> ()
    %broadcast_in_dim3A = arith.constant 1.000000e+00 : f32
    %broadcast_in_dim3A_1 = vector.broadcast %broadcast_in_dim3A : f32 to vector<16xf32>
    %swap3A = arith.constant 0 : index
    %swap3A_2 = tpu.vector_load %arg19[%swap3A] {strides = array<i32>} : memref<80xf32, #tpu.memory_space<vmem>>, vector<16xf32>,
    tpu.vector_store %arg19[%swap3A], %broadcast_in_dim3A_1 {strides = array<i32>} : memref<80xf32, #tpu.memory_space<vmem>>, vector<16xf32>,
    %broadcast_in_dim3A_3 = arith.constant 1.000000e+00 : f32
    %broadcast_in_dim3A_4 = vector.broadcast %broadcast_in_dim3A_3 : f32 to vector<16xf32>
    %swap3A_5 = arith.constant 16 : index
    %swap3A_6 = tpu.vector_load %arg19[%swap3A_5] {strides = array<i32>} : memref<80xf32, #tpu.memory_space<vmem>>, vector<16xf32>,
    tpu.vector_store %arg19[%swap3A_5], %broadcast_in_dim3A_4 {strides = array<i32>} : memref<80xf32, #tpu.memory_space<vmem>>, vector<16xf32>,
    %broadcast_in_dim3A_7 = arith.constant 1.000000e+00 : f32
    %broadcast_in_dim3A_8 = vector.broadcast %broadcast_in_dim3A_7 : f32 to vector<16xf32>
    %swap3A_9 = arith.constant 32 : index
    %swap3A_10 = tpu.vector_load %arg19[%swap3A_9] {strides = array<i32>} : memref<80xf32, #tpu.memory_space<vmem>>, vector<16xf32>,
    tpu.vector_store %arg19[%swap3A_9], %broadcast_in_dim3A_8 {strides = array<i32>} : memref<80xf32, #tpu.memory_space<vmem>>, vector<16xf32>,
    %broadcast_in_dim3A_11 = arith.constant 1.000000e+00 : f32
    %broadcast_in_dim3A_12 = vector.broadcast %broadcast_in_dim3A_11 : f32 to vector<16xf32>
    %swap3A_13 = arith.constant 48 : index
    %swap3A_14 = tpu.vector_load %arg19[%swap3A_13] {strides = array<i32>} : memref<80xf32, #tpu.memory_space<vmem>>, vector<16xf32>,
    tpu.vector_store %arg19[%swap3A_13], %broadcast_in_dim3A_12 {strides = array<i32>} : memref<80xf32, #tpu.memory_space<vmem>>, vector<16xf32>,
    %broadcast_in_dim3A_15 = arith.constant 1.000000e+00 : f32
    %broadcast_in_dim3A_16 = vector.broadcast %broadcast_in_dim3A_15 : f32 to vector<16xf32>
    %swap3A_17 = arith.constant 64 : index
    %swap3A_18 = tpu.vector_load %arg19[%swap3A_17] {strides = array<i32>} : memref<80xf32, #tpu.memory_space<vmem>>, vector<16xf32>,
    tpu.vector_store %arg19[%swap3A_17], %broadcast_in_dim3A_16 {strides = array<i32>} : memref<80xf32, #tpu.memory_space<vmem>>, vector<16xf32>,
    %mul3A_19 = arith.constant 625 : i32
    %mul3A_20 = arith.muli %arg1, %mul3A_19 : i32
    "tpu.region"() ({
      %run_scoped3A = tpu.sem_alloc : memref<!tpu.dma_semaphore, #tpu.memory_space<semaphore_mem>>
      %dma_start3A = arith.constant 0 : i32
      %dma_start3A_40 = tpu.memref_slice %arg20[%mul3A_20, %dma_start3A] : memref<10000x64xf32, #tpu.memory_space<vmem_shared>> -> memref<625x64xf32, #tpu.memory_space<vmem_shared>>
      %dma_start3A_41 = arith.constant 0 : i32
      %dma_start3A_42 = arith.constant 0 : i32
      %dma_start3A_43 = tpu.memref_slice %arg7[%arg1, %dma_start3A_41, %dma_start3A_42] : memref<16x625x64xf32, #tpu.memory_space<hbm>> -> memref<1x625x64xf32, #tpu.memory_space<hbm>>
      %dma_start3A_44 = tpu.memref_squeeze %dma_start3A_43 : memref<1x625x64xf32, #tpu.memory_space<hbm>> -> memref<625x64xf32, #tpu.memory_space<hbm>>
      tpu.enqueue_dma source(%dma_start3A_44 : memref<625x64xf32, #tpu.memory_space<hbm>>) target(%dma_start3A_40 : memref<625x64xf32, #tpu.memory_space<vmem_shared>>) target_semaphore(%run_scoped3A : memref<!tpu.dma_semaphore, #tpu.memory_space<semaphore_mem>>)
      %dma_wait3A = arith.constant 0 : i32
      %dma_wait3A_45 = tpu.memref_slice %arg20[%mul3A_20, %dma_wait3A] : memref<10000x64xf32, #tpu.memory_space<vmem_shared>> -> memref<625x64xf32, #tpu.memory_space<vmem_shared>>
      %dma_wait3A_46 = arith.constant 0 : i32
      %dma_wait3A_47 = arith.constant 0 : i32
      %dma_wait3A_48 = tpu.memref_slice %arg7[%arg1, %dma_wait3A_46, %dma_wait3A_47] : memref<16x625x64xf32, #tpu.memory_space<hbm>> -> memref<1x625x64xf32, #tpu.memory_space<hbm>>
      %dma_wait3A_49 = tpu.memref_squeeze %dma_wait3A_48 : memref<1x625x64xf32, #tpu.memory_space<hbm>> -> memref<625x64xf32, #tpu.memory_space<hbm>>
      tpu.wait_dma2 semaphore(%run_scoped3A : memref<!tpu.dma_semaphore, #tpu.memory_space<semaphore_mem>>) src(%dma_wait3A_49 : memref<625x64xf32, #tpu.memory_space<hbm>>) dst(%dma_wait3A_45 : memref<625x64xf32, #tpu.memory_space<vmem_shared>>)
      tpu.yield
    }) : () -> ()
    %eq3A = arith.constant 0 : i32
    %eq3A_21 = arith.cmpi eq, %arg1, %eq3A : i32
    %convert_element_type3A = arith.extui %eq3A_21 : i1 to i32
    %cond3A = arith.constant 0 : i32
    %cond3A_22 = arith.cmpi ne, %convert_element_type3A, %cond3A : i32
    scf.if %cond3A_22 {
      "tpu.region"() ({
        %run_scoped3A = tpu.sem_alloc : memref<!tpu.dma_semaphore, #tpu.memory_space<semaphore_mem>>
        tpu.enqueue_dma source(%arg8 : memref<10000xf32, #tpu.memory_space<hbm>>) target(%arg21 : memref<10000xf32, #tpu.memory_space<vmem_shared>>) target_semaphore(%run_scoped3A : memref<!tpu.dma_semaphore, #tpu.memory_space<semaphore_mem>>)
        tpu.wait_dma2 semaphore(%run_scoped3A : memref<!tpu.dma_semaphore, #tpu.memory_space<semaphore_mem>>) src(%arg8 : memref<10000xf32, #tpu.memory_space<hbm>>) dst(%arg21 : memref<10000xf32, #tpu.memory_space<vmem_shared>>)
        tpu.yield
      }) : () -> ()
    } else {
    }
    %barrier3A = arith.constant 0 : index
    tpu.barrier barrier_id(%barrier3A)
    %scan3A = arith.constant 0 : i32
    %scan3A_23 = arith.constant 250 : i32
    %scan3A_24 = arith.addi %scan3A, %scan3A_23 : i32
    %scan3A_25 = arith.constant 1 : i32
    scf.for %scan3A_40 = %scan3A to %scan3A_24 step %scan3A_25  : i32 {
      %mul3A_41 = arith.constant 1 : i32
      %mul3A_42 = arith.muli %scan3A_40, %mul3A_41 : i32
      %add3A_43 = arith.constant 0 : i32
      %add3A_44 = arith.addi %add3A_43, %mul3A_42 : i32
      %get3A = arith.index_cast %add3A_44 : i32 to index
      %get3A_45 = arith.constant 0 : index
      %get3A_46 = tpu.vector_load %arg13[%get3A, %get3A_45] {strides = array<i32>} : memref<250x80xi32, #tpu.memory_space<vmem>>, vector<16xi32>,
      %get3A_47 = arith.index_cast %add3A_44 : i32 to index
      %get3A_48 = arith.constant 0 : index
      %get3A_49 = tpu.vector_load %arg14[%get3A_47, %get3A_48] {strides = array<i32>} : memref<250x80xi32, #tpu.memory_space<vmem>>, vector<16xi32>,
      %gather3A = tpu.vector_load_idx %arg15[%get3A_46] : memref<10000xf32, #tpu.memory_space<vmem>>[vector<16xi32>], vector<16xf32>,
      %gather3A_50 = tpu.vector_load_idx %arg16[%get3A_49] : memref<10000xf32, #tpu.memory_space<vmem>>[vector<16xi32>], vector<16xf32>,
      %add3A_51 = arith.addf %gather3A, %gather3A_50 : vector<16xf32>
      %abs3A = math.absf %add3A_51 : vector<16xf32>
      %neg3A = arith.constant 0.000000e+00 : f32
      %neg3A_52 = vector.broadcast %neg3A : f32 to vector<16xf32>
      %neg3A_53 = arith.subf %neg3A_52, %abs3A : vector<16xf32>
      %exp3A = math.exp %neg3A_53 : vector<16xf32>
      %ge3A = arith.constant 0.000000e+00 : f32
      %ge3A_54 = vector.broadcast %ge3A : f32 to vector<16xf32>
      %ge3A_55 = arith.cmpf oge, %add3A_51, %ge3A_54 : vector<16xf32>
      %jit3A = arith.constant 1.000000e+00 : f32
      %broadcast_in_dim3A_56 = vector.broadcast %jit3A : f32 to vector<16xf32>
      %select_n3A = arith.select %ge3A_55, %broadcast_in_dim3A_56, %exp3A : vector<16xi1>, vector<16xf32>
      %add3A_57 = arith.constant 1.000000e+00 : f32
      %add3A_58 = vector.broadcast %add3A_57 : f32 to vector<16xf32>
      %add3A_59 = arith.addf %add3A_58, %exp3A : vector<16xf32>
      %div3A = arith.divf %select_n3A, %add3A_59 : vector<16xf32>
      %swap3A_60 = arith.index_cast %add3A_44 : i32 to index
      %swap3A_61 = arith.constant 0 : index
      %swap3A_62 = tpu.vector_load %arg17[%swap3A_60, %swap3A_61] {strides = array<i32>} : memref<250x80xf32, #tpu.memory_space<vmem>>, vector<16xf32>,
      tpu.vector_store %arg17[%swap3A_60, %swap3A_61], %div3A {strides = array<i32>} : memref<250x80xf32, #tpu.memory_space<vmem>>, vector<16xf32>,
      %get3A_63 = arith.index_cast %add3A_44 : i32 to index
      %get3A_64 = arith.constant 16 : index
      %get3A_65 = tpu.vector_load %arg13[%get3A_63, %get3A_64] {strides = array<i32>} : memref<250x80xi32, #tpu.memory_space<vmem>>, vector<16xi32>,
      %get3A_66 = arith.index_cast %add3A_44 : i32 to index
      %get3A_67 = arith.constant 16 : index
      %get3A_68 = tpu.vector_load %arg14[%get3A_66, %get3A_67] {strides = array<i32>} : memref<250x80xi32, #tpu.memory_space<vmem>>, vector<16xi32>,
      %gather3A_69 = tpu.vector_load_idx %arg15[%get3A_65] : memref<10000xf32, #tpu.memory_space<vmem>>[vector<16xi32>], vector<16xf32>,
      %gather3A_70 = tpu.vector_load_idx %arg16[%get3A_68] : memref<10000xf32, #tpu.memory_space<vmem>>[vector<16xi32>], vector<16xf32>,
      %add3A_71 = arith.addf %gather3A_69, %gather3A_70 : vector<16xf32>
      %abs3A_72 = math.absf %add3A_71 : vector<16xf32>
      %neg3A_73 = arith.constant 0.000000e+00 : f32
      %neg3A_74 = vector.broadcast %neg3A_73 : f32 to vector<16xf32>
      %neg3A_75 = arith.subf %neg3A_74, %abs3A_72 : vector<16xf32>
      %exp3A_76 = math.exp %neg3A_75 : vector<16xf32>
      %ge3A_77 = arith.constant 0.000000e+00 : f32
      %ge3A_78 = vector.broadcast %ge3A_77 : f32 to vector<16xf32>
      %ge3A_79 = arith.cmpf oge, %add3A_71, %ge3A_78 : vector<16xf32>
      %jit3A_80 = arith.constant 1.000000e+00 : f32
      %broadcast_in_dim3A_81 = vector.broadcast %jit3A_80 : f32 to vector<16xf32>
      %select_n3A_82 = arith.select %ge3A_79, %broadcast_in_dim3A_81, %exp3A_76 : vector<16xi1>, vector<16xf32>
      %add3A_83 = arith.constant 1.000000e+00 : f32
      %add3A_84 = vector.broadcast %add3A_83 : f32 to vector<16xf32>
      %add3A_85 = arith.addf %add3A_84, %exp3A_76 : vector<16xf32>
      %div3A_86 = arith.divf %select_n3A_82, %add3A_85 : vector<16xf32>
      %swap3A_87 = arith.index_cast %add3A_44 : i32 to index
      %swap3A_88 = arith.constant 16 : index
      %swap3A_89 = tpu.vector_load %arg17[%swap3A_87, %swap3A_88] {strides = array<i32>} : memref<250x80xf32, #tpu.memory_space<vmem>>, vector<16xf32>,
      tpu.vector_store %arg17[%swap3A_87, %swap3A_88], %div3A_86 {strides = array<i32>} : memref<250x80xf32, #tpu.memory_space<vmem>>, vector<16xf32>,
      %get3A_90 = arith.index_cast %add3A_44 : i32 to index
      %get3A_91 = arith.constant 32 : index
      %get3A_92 = tpu.vector_load %arg13[%get3A_90, %get3A_91] {strides = array<i32>} : memref<250x80xi32, #tpu.memory_space<vmem>>, vector<16xi32>,
      %get3A_93 = arith.index_cast %add3A_44 : i32 to index
      %get3A_94 = arith.constant 32 : index
      %get3A_95 = tpu.vector_load %arg14[%get3A_93, %get3A_94] {strides = array<i32>} : memref<250x80xi32, #tpu.memory_space<vmem>>, vector<16xi32>,
      %gather3A_96 = tpu.vector_load_idx %arg15[%get3A_92] : memref<10000xf32, #tpu.memory_space<vmem>>[vector<16xi32>], vector<16xf32>,
      %gather3A_97 = tpu.vector_load_idx %arg16[%get3A_95] : memref<10000xf32, #tpu.memory_space<vmem>>[vector<16xi32>], vector<16xf32>,
      %add3A_98 = arith.addf %gather3A_96, %gather3A_97 : vector<16xf32>
      %abs3A_99 = math.absf %add3A_98 : vector<16xf32>
      %neg3A_100 = arith.constant 0.000000e+00 : f32
      %neg3A_101 = vector.broadcast %neg3A_100 : f32 to vector<16xf32>
      %neg3A_102 = arith.subf %neg3A_101, %abs3A_99 : vector<16xf32>
      %exp3A_103 = math.exp %neg3A_102 : vector<16xf32>
      %ge3A_104 = arith.constant 0.000000e+00 : f32
      %ge3A_105 = vector.broadcast %ge3A_104 : f32 to vector<16xf32>
      %ge3A_106 = arith.cmpf oge, %add3A_98, %ge3A_105 : vector<16xf32>
      %jit3A_107 = arith.constant 1.000000e+00 : f32
      %broadcast_in_dim3A_108 = vector.broadcast %jit3A_107 : f32 to vector<16xf32>
      %select_n3A_109 = arith.select %ge3A_106, %broadcast_in_dim3A_108, %exp3A_103 : vector<16xi1>, vector<16xf32>
      %add3A_110 = arith.constant 1.000000e+00 : f32
      %add3A_111 = vector.broadcast %add3A_110 : f32 to vector<16xf32>
      %add3A_112 = arith.addf %add3A_111, %exp3A_103 : vector<16xf32>
      %div3A_113 = arith.divf %select_n3A_109, %add3A_112 : vector<16xf32>
      %swap3A_114 = arith.index_cast %add3A_44 : i32 to index
      %swap3A_115 = arith.constant 32 : index
      %swap3A_116 = tpu.vector_load %arg17[%swap3A_114, %swap3A_115] {strides = array<i32>} : memref<250x80xf32, #tpu.memory_space<vmem>>, vector<16xf32>,
      tpu.vector_store %arg17[%swap3A_114, %swap3A_115], %div3A_113 {strides = array<i32>} : memref<250x80xf32, #tpu.memory_space<vmem>>, vector<16xf32>,
      %get3A_117 = arith.index_cast %add3A_44 : i32 to index
      %get3A_118 = arith.constant 48 : index
      %get3A_119 = tpu.vector_load %arg13[%get3A_117, %get3A_118] {strides = array<i32>} : memref<250x80xi32, #tpu.memory_space<vmem>>, vector<16xi32>,
      %get3A_120 = arith.index_cast %add3A_44 : i32 to index
      %get3A_121 = arith.constant 48 : index
      %get3A_122 = tpu.vector_load %arg14[%get3A_120, %get3A_121] {strides = array<i32>} : memref<250x80xi32, #tpu.memory_space<vmem>>, vector<16xi32>,
      %gather3A_123 = tpu.vector_load_idx %arg15[%get3A_119] : memref<10000xf32, #tpu.memory_space<vmem>>[vector<16xi32>], vector<16xf32>,
      %gather3A_124 = tpu.vector_load_idx %arg16[%get3A_122] : memref<10000xf32, #tpu.memory_space<vmem>>[vector<16xi32>], vector<16xf32>,
      %add3A_125 = arith.addf %gather3A_123, %gather3A_124 : vector<16xf32>
      %abs3A_126 = math.absf %add3A_125 : vector<16xf32>
      %neg3A_127 = arith.constant 0.000000e+00 : f32
      %neg3A_128 = vector.broadcast %neg3A_127 : f32 to vector<16xf32>
      %neg3A_129 = arith.subf %neg3A_128, %abs3A_126 : vector<16xf32>
      %exp3A_130 = math.exp %neg3A_129 : vector<16xf32>
      %ge3A_131 = arith.constant 0.000000e+00 : f32
      %ge3A_132 = vector.broadcast %ge3A_131 : f32 to vector<16xf32>
      %ge3A_133 = arith.cmpf oge, %add3A_125, %ge3A_132 : vector<16xf32>
      %jit3A_134 = arith.constant 1.000000e+00 : f32
      %broadcast_in_dim3A_135 = vector.broadcast %jit3A_134 : f32 to vector<16xf32>
      %select_n3A_136 = arith.select %ge3A_133, %broadcast_in_dim3A_135, %exp3A_130 : vector<16xi1>, vector<16xf32>
      %add3A_137 = arith.constant 1.000000e+00 : f32
      %add3A_138 = vector.broadcast %add3A_137 : f32 to vector<16xf32>
      %add3A_139 = arith.addf %add3A_138, %exp3A_130 : vector<16xf32>
      %div3A_140 = arith.divf %select_n3A_136, %add3A_139 : vector<16xf32>
      %swap3A_141 = arith.index_cast %add3A_44 : i32 to index
      %swap3A_142 = arith.constant 48 : index
      %swap3A_143 = tpu.vector_load %arg17[%swap3A_141, %swap3A_142] {strides = array<i32>} : memref<250x80xf32, #tpu.memory_space<vmem>>, vector<16xf32>,
      tpu.vector_store %arg17[%swap3A_141, %swap3A_142], %div3A_140 {strides = array<i32>} : memref<250x80xf32, #tpu.memory_space<vmem>>, vector<16xf32>,
      %get3A_144 = arith.index_cast %add3A_44 : i32 to index
      %get3A_145 = arith.constant 64 : index
      %get3A_146 = tpu.vector_load %arg13[%get3A_144, %get3A_145] {strides = array<i32>} : memref<250x80xi32, #tpu.memory_space<vmem>>, vector<16xi32>,
      %get3A_147 = arith.index_cast %add3A_44 : i32 to index
      %get3A_148 = arith.constant 64 : index
      %get3A_149 = tpu.vector_load %arg14[%get3A_147, %get3A_148] {strides = array<i32>} : memref<250x80xi32, #tpu.memory_space<vmem>>, vector<16xi32>,
      %gather3A_150 = tpu.vector_load_idx %arg15[%get3A_146] : memref<10000xf32, #tpu.memory_space<vmem>>[vector<16xi32>], vector<16xf32>,
      %gather3A_151 = tpu.vector_load_idx %arg16[%get3A_149] : memref<10000xf32, #tpu.memory_space<vmem>>[vector<16xi32>], vector<16xf32>,
      %add3A_152 = arith.addf %gather3A_150, %gather3A_151 : vector<16xf32>
      %abs3A_153 = math.absf %add3A_152 : vector<16xf32>
      %neg3A_154 = arith.constant 0.000000e+00 : f32
      %neg3A_155 = vector.broadcast %neg3A_154 : f32 to vector<16xf32>
      %neg3A_156 = arith.subf %neg3A_155, %abs3A_153 : vector<16xf32>
      %exp3A_157 = math.exp %neg3A_156 : vector<16xf32>
      %ge3A_158 = arith.constant 0.000000e+00 : f32
      %ge3A_159 = vector.broadcast %ge3A_158 : f32 to vector<16xf32>
      %ge3A_160 = arith.cmpf oge, %add3A_152, %ge3A_159 : vector<16xf32>
      %jit3A_161 = arith.constant 1.000000e+00 : f32
      %broadcast_in_dim3A_162 = vector.broadcast %jit3A_161 : f32 to vector<16xf32>
      %select_n3A_163 = arith.select %ge3A_160, %broadcast_in_dim3A_162, %exp3A_157 : vector<16xi1>, vector<16xf32>
      %add3A_164 = arith.constant 1.000000e+00 : f32
      %add3A_165 = vector.broadcast %add3A_164 : f32 to vector<16xf32>
      %add3A_166 = arith.addf %add3A_165, %exp3A_157 : vector<16xf32>
      %div3A_167 = arith.divf %select_n3A_163, %add3A_166 : vector<16xf32>
      %swap3A_168 = arith.index_cast %add3A_44 : i32 to index
      %swap3A_169 = arith.constant 64 : index
      %swap3A_170 = tpu.vector_load %arg17[%swap3A_168, %swap3A_169] {strides = array<i32>} : memref<250x80xf32, #tpu.memory_space<vmem>>, vector<16xf32>,
      tpu.vector_store %arg17[%swap3A_168, %swap3A_169], %div3A_167 {strides = array<i32>} : memref<250x80xf32, #tpu.memory_space<vmem>>, vector<16xf32>,
      %dma_start3A = arith.constant 0 : i32
      %dma_start3A_171 = tpu.memref_slice %arg13[%add3A_44, %dma_start3A] : memref<250x80xi32, #tpu.memory_space<vmem>> -> memref<1x80xi32, #tpu.memory_space<vmem>>
      %dma_start3A_172 = tpu.memref_squeeze %dma_start3A_171 : memref<1x80xi32, #tpu.memory_space<vmem>> -> memref<80xi32, #tpu.memory_space<vmem>>
      %dma_start3A_173 = arith.constant 0 : i32
      %dma_start3A_174 = arith.constant 0 : i32
      %dma_start3A_175 = tpu.memref_slice %arg2[%arg0, %dma_start3A_173, %dma_start3A_174] : memref<2x10000x64xf32, #tpu.memory_space<hbm>> -> memref<1x10000x64xf32, #tpu.memory_space<hbm>>
      %dma_start3A_176 = tpu.memref_squeeze %dma_start3A_175 : memref<1x10000x64xf32, #tpu.memory_space<hbm>> -> memref<10000x64xf32, #tpu.memory_space<hbm>>
      %dma_start3A_177 = arith.constant 0 : i32
      %dma_start3A_178 = arith.constant 0 : i32
      %dma_start3A_179 = tpu.memref_slice %dma_start3A_176[%dma_start3A_177, %dma_start3A_178] : memref<10000x64xf32, #tpu.memory_space<hbm>> -> memref<10000x64xf32, #tpu.memory_space<hbm>>
      tpu.enqueue_indirect_dma source(%dma_start3A_179 : memref<10000x64xf32, #tpu.memory_space<hbm>>) target(%arg18 : memref<80x64xf32, #tpu.memory_space<vmem>>) offsets(%dma_start3A_172 : memref<80xi32, #tpu.memory_space<vmem>>) semaphore(%arg22 : memref<!tpu.dma_semaphore, #tpu.memory_space<semaphore_mem>>)
      %dma_wait3A = arith.constant 0 : i32
      %dma_wait3A_180 = tpu.memref_slice %arg13[%add3A_44, %dma_wait3A] : memref<250x80xi32, #tpu.memory_space<vmem>> -> memref<1x80xi32, #tpu.memory_space<vmem>>
      %dma_wait3A_181 = tpu.memref_squeeze %dma_wait3A_180 : memref<1x80xi32, #tpu.memory_space<vmem>> -> memref<80xi32, #tpu.memory_space<vmem>>
      %dma_wait3A_182 = arith.constant 0 : i32
      %dma_wait3A_183 = arith.constant 0 : i32
      %dma_wait3A_184 = tpu.memref_slice %arg2[%arg0, %dma_wait3A_182, %dma_wait3A_183] : memref<2x10000x64xf32, #tpu.memory_space<hbm>> -> memref<1x10000x64xf32, #tpu.memory_space<hbm>>
      %dma_wait3A_185 = tpu.memref_squeeze %dma_wait3A_184 : memref<1x10000x64xf32, #tpu.memory_space<hbm>> -> memref<10000x64xf32, #tpu.memory_space<hbm>>
      %dma_wait3A_186 = arith.constant 0 : i32
      %dma_wait3A_187 = arith.constant 0 : i32
      %dma_wait3A_188 = tpu.memref_slice %dma_wait3A_185[%dma_wait3A_186, %dma_wait3A_187] : memref<10000x64xf32, #tpu.memory_space<hbm>> -> memref<10000x64xf32, #tpu.memory_space<hbm>>
      tpu.wait_indirect_dma semaphore(%arg22 : memref<!tpu.dma_semaphore, #tpu.memory_space<semaphore_mem>>) src(%dma_wait3A_188 : memref<10000x64xf32, #tpu.memory_space<hbm>>) dst(%arg18 : memref<80x64xf32, #tpu.memory_space<vmem>>)
      %scan3A_189 = arith.constant 0 : i32
      %scan3A_190 = arith.constant 80 : i32
      %scan3A_191 = arith.addi %scan3A_189, %scan3A_190 : i32
      %scan3A_192 = arith.constant 1 : i32
      scf.for %scan3A_204 = %scan3A_189 to %scan3A_191 step %scan3A_192  : i32 {
        %mul3A_205 = arith.constant 1 : i32
        %mul3A_206 = arith.muli %scan3A_204, %mul3A_205 : i32
        %add3A_207 = arith.constant 0 : i32
        %add3A_208 = arith.addi %add3A_207, %mul3A_206 : i32
        %broadcast_in_dim3A_209 = vector.broadcast %add3A_44 : i32 to vector<16xi32>
        %broadcast_in_dim3A_210 = vector.broadcast %add3A_208 : i32 to vector<16xi32>
        %gather3A_211 = tpu.vector_load_idx %arg17[%broadcast_in_dim3A_209, %broadcast_in_dim3A_210] : memref<250x80xf32, #tpu.memory_space<vmem>>[vector<16xi32>, vector<16xi32>], vector<16xf32>,
        %get3A_212 = arith.index_cast %add3A_208 : i32 to index
        %get3A_213 = arith.constant 0 : index
        %get3A_214 = tpu.vector_load %arg18[%get3A_212, %get3A_213] {strides = array<i32>} : memref<80x64xf32, #tpu.memory_space<vmem>>, vector<16xf32>,
        %mul3A_215 = arith.mulf %get3A_214, %gather3A_211 : vector<16xf32>
        %swap3A_216 = arith.index_cast %add3A_208 : i32 to index
        %swap3A_217 = arith.constant 0 : index
        %swap3A_218 = tpu.vector_load %arg18[%swap3A_216, %swap3A_217] {strides = array<i32>} : memref<80x64xf32, #tpu.memory_space<vmem>>, vector<16xf32>,
        tpu.vector_store %arg18[%swap3A_216, %swap3A_217], %mul3A_215 {strides = array<i32>} : memref<80x64xf32, #tpu.memory_space<vmem>>, vector<16xf32>,
        %get3A_219 = arith.index_cast %add3A_208 : i32 to index
        %get3A_220 = arith.constant 16 : index
        %get3A_221 = tpu.vector_load %arg18[%get3A_219, %get3A_220] {strides = array<i32>} : memref<80x64xf32, #tpu.memory_space<vmem>>, vector<16xf32>,
        %mul3A_222 = arith.mulf %get3A_221, %gather3A_211 : vector<16xf32>
        %swap3A_223 = arith.index_cast %add3A_208 : i32 to index
        %swap3A_224 = arith.constant 16 : index
        %swap3A_225 = tpu.vector_load %arg18[%swap3A_223, %swap3A_224] {strides = array<i32>} : memref<80x64xf32, #tpu.memory_space<vmem>>, vector<16xf32>,
        tpu.vector_store %arg18[%swap3A_223, %swap3A_224], %mul3A_222 {strides = array<i32>} : memref<80x64xf32, #tpu.memory_space<vmem>>, vector<16xf32>,
        %get3A_226 = arith.index_cast %add3A_208 : i32 to index
        %get3A_227 = arith.constant 32 : index
        %get3A_228 = tpu.vector_load %arg18[%get3A_226, %get3A_227] {strides = array<i32>} : memref<80x64xf32, #tpu.memory_space<vmem>>, vector<16xf32>,
        %mul3A_229 = arith.mulf %get3A_228, %gather3A_211 : vector<16xf32>
        %swap3A_230 = arith.index_cast %add3A_208 : i32 to index
        %swap3A_231 = arith.constant 32 : index
        %swap3A_232 = tpu.vector_load %arg18[%swap3A_230, %swap3A_231] {strides = array<i32>} : memref<80x64xf32, #tpu.memory_space<vmem>>, vector<16xf32>,
        tpu.vector_store %arg18[%swap3A_230, %swap3A_231], %mul3A_229 {strides = array<i32>} : memref<80x64xf32, #tpu.memory_space<vmem>>, vector<16xf32>,
        %get3A_233 = arith.index_cast %add3A_208 : i32 to index
        %get3A_234 = arith.constant 48 : index
        %get3A_235 = tpu.vector_load %arg18[%get3A_233, %get3A_234] {strides = array<i32>} : memref<80x64xf32, #tpu.memory_space<vmem>>, vector<16xf32>,
        %mul3A_236 = arith.mulf %get3A_235, %gather3A_211 : vector<16xf32>
        %swap3A_237 = arith.index_cast %add3A_208 : i32 to index
        %swap3A_238 = arith.constant 48 : index
        %swap3A_239 = tpu.vector_load %arg18[%swap3A_237, %swap3A_238] {strides = array<i32>} : memref<80x64xf32, #tpu.memory_space<vmem>>, vector<16xf32>,
        tpu.vector_store %arg18[%swap3A_237, %swap3A_238], %mul3A_236 {strides = array<i32>} : memref<80x64xf32, #tpu.memory_space<vmem>>, vector<16xf32>,
      }
      %scan3A_193 = arith.constant 80 : i32
      "tpu.region"() ({
        %run_scoped3A = tpu.sem_alloc : memref<!tpu.dma_semaphore, #tpu.memory_space<semaphore_mem>>
        %dma_start3A_204 = arith.constant 0 : i32
        %dma_start3A_205 = tpu.memref_slice %arg14[%add3A_44, %dma_start3A_204] : memref<250x80xi32, #tpu.memory_space<vmem>> -> memref<1x80xi32, #tpu.memory_space<vmem>>
        %dma_start3A_206 = tpu.memref_squeeze %dma_start3A_205 : memref<1x80xi32, #tpu.memory_space<vmem>> -> memref<80xi32, #tpu.memory_space<vmem>>
        %dma_start3A_207 = arith.constant 0 : i32
        %dma_start3A_208 = arith.constant 0 : i32
        %dma_start3A_209 = tpu.memref_slice %arg20[%dma_start3A_207, %dma_start3A_208] : memref<10000x64xf32, #tpu.memory_space<vmem_shared>> -> memref<10000x64xf32, #tpu.memory_space<vmem_shared>>
        tpu.enqueue_indirect_dma source(%arg18 : memref<80x64xf32, #tpu.memory_space<vmem>>) target(%dma_start3A_209 : memref<10000x64xf32, #tpu.memory_space<vmem_shared>>) offsets(%dma_start3A_206 : memref<80xi32, #tpu.memory_space<vmem>>) semaphore(%run_scoped3A : memref<!tpu.dma_semaphore, #tpu.memory_space<semaphore_mem>>) {add = true}
        %dma_wait3A_210 = arith.constant 0 : i32
        %dma_wait3A_211 = tpu.memref_slice %arg14[%add3A_44, %dma_wait3A_210] : memref<250x80xi32, #tpu.memory_space<vmem>> -> memref<1x80xi32, #tpu.memory_space<vmem>>
        %dma_wait3A_212 = tpu.memref_squeeze %dma_wait3A_211 : memref<1x80xi32, #tpu.memory_space<vmem>> -> memref<80xi32, #tpu.memory_space<vmem>>
        %dma_wait3A_213 = arith.constant 0 : i32
        %dma_wait3A_214 = arith.constant 0 : i32
        %dma_wait3A_215 = tpu.memref_slice %arg20[%dma_wait3A_213, %dma_wait3A_214] : memref<10000x64xf32, #tpu.memory_space<vmem_shared>> -> memref<10000x64xf32, #tpu.memory_space<vmem_shared>>
        tpu.wait_indirect_dma semaphore(%run_scoped3A : memref<!tpu.dma_semaphore, #tpu.memory_space<semaphore_mem>>) src(%arg18 : memref<80x64xf32, #tpu.memory_space<vmem>>) dst(%dma_wait3A_215 : memref<10000x64xf32, #tpu.memory_space<vmem_shared>>)
        tpu.yield
      }) : () -> ()
      %eq3A_194 = arith.constant 0 : i32
      %eq3A_195 = arith.cmpi eq, %arg0, %eq3A_194 : i32
      %convert_element_type3A_196 = arith.extui %eq3A_195 : i1 to i32
      %cond3A_197 = arith.constant 0 : i32
      %cond3A_198 = arith.cmpi ne, %convert_element_type3A_196, %cond3A_197 : i32
      scf.if %cond3A_198 {
        "tpu.region"() ({
          %run_scoped3A = tpu.sem_alloc : memref<!tpu.dma_semaphore, #tpu.memory_space<semaphore_mem>>
          %dma_start3A_204 = arith.constant 0 : i32
          %dma_start3A_205 = tpu.memref_slice %arg17[%add3A_44, %dma_start3A_204] : memref<250x80xf32, #tpu.memory_space<vmem>> -> memref<1x80xf32, #tpu.memory_space<vmem>>
          %dma_start3A_206 = tpu.memref_squeeze %dma_start3A_205 : memref<1x80xf32, #tpu.memory_space<vmem>> -> memref<80xf32, #tpu.memory_space<vmem>>
          %dma_start3A_207 = arith.constant 0 : i32
          %dma_start3A_208 = tpu.memref_slice %arg13[%add3A_44, %dma_start3A_207] : memref<250x80xi32, #tpu.memory_space<vmem>> -> memref<1x80xi32, #tpu.memory_space<vmem>>
          %dma_start3A_209 = tpu.memref_squeeze %dma_start3A_208 : memref<1x80xi32, #tpu.memory_space<vmem>> -> memref<80xi32, #tpu.memory_space<vmem>>
          %dma_start3A_210 = arith.constant 0 : i32
          %dma_start3A_211 = tpu.memref_slice %arg21[%dma_start3A_210] : memref<10000xf32, #tpu.memory_space<vmem_shared>> -> memref<10000xf32, #tpu.memory_space<vmem_shared>>
          tpu.enqueue_indirect_dma source(%dma_start3A_206 : memref<80xf32, #tpu.memory_space<vmem>>) target(%dma_start3A_211 : memref<10000xf32, #tpu.memory_space<vmem_shared>>) offsets(%dma_start3A_209 : memref<80xi32, #tpu.memory_space<vmem>>) semaphore(%run_scoped3A : memref<!tpu.dma_semaphore, #tpu.memory_space<semaphore_mem>>) {add = true}
          %dma_wait3A_212 = arith.constant 0 : i32
          %dma_wait3A_213 = tpu.memref_slice %arg17[%add3A_44, %dma_wait3A_212] : memref<250x80xf32, #tpu.memory_space<vmem>> -> memref<1x80xf32, #tpu.memory_space<vmem>>
          %dma_wait3A_214 = tpu.memref_squeeze %dma_wait3A_213 : memref<1x80xf32, #tpu.memory_space<vmem>> -> memref<80xf32, #tpu.memory_space<vmem>>
          %dma_wait3A_215 = arith.constant 0 : i32
          %dma_wait3A_216 = tpu.memref_slice %arg13[%add3A_44, %dma_wait3A_215] : memref<250x80xi32, #tpu.memory_space<vmem>> -> memref<1x80xi32, #tpu.memory_space<vmem>>
          %dma_wait3A_217 = tpu.memref_squeeze %dma_wait3A_216 : memref<1x80xi32, #tpu.memory_space<vmem>> -> memref<80xi32, #tpu.memory_space<vmem>>
          %dma_wait3A_218 = arith.constant 0 : i32
          %dma_wait3A_219 = tpu.memref_slice %arg21[%dma_wait3A_218] : memref<10000xf32, #tpu.memory_space<vmem_shared>> -> memref<10000xf32, #tpu.memory_space<vmem_shared>>
          tpu.wait_indirect_dma semaphore(%run_scoped3A : memref<!tpu.dma_semaphore, #tpu.memory_space<semaphore_mem>>) src(%dma_wait3A_214 : memref<80xf32, #tpu.memory_space<vmem>>) dst(%dma_wait3A_219 : memref<10000xf32, #tpu.memory_space<vmem_shared>>)
          tpu.yield
        }) : () -> ()
      } else {
      }
      %eq3A_199 = arith.constant 1 : i32
      %eq3A_200 = arith.cmpi eq, %arg0, %eq3A_199 : i32
      %convert_element_type3A_201 = arith.extui %eq3A_200 : i1 to i32
      %cond3A_202 = arith.constant 0 : i32
      %cond3A_203 = arith.cmpi ne, %convert_element_type3A_201, %cond3A_202 : i32
      scf.if %cond3A_203 {
        "tpu.region"() ({
          %run_scoped3A = tpu.sem_alloc : memref<!tpu.dma_semaphore, #tpu.memory_space<semaphore_mem>>
          %dma_start3A_204 = arith.constant 0 : i32
          %dma_start3A_205 = tpu.memref_slice %arg13[%add3A_44, %dma_start3A_204] : memref<250x80xi32, #tpu.memory_space<vmem>> -> memref<1x80xi32, #tpu.memory_space<vmem>>
          %dma_start3A_206 = tpu.memref_squeeze %dma_start3A_205 : memref<1x80xi32, #tpu.memory_space<vmem>> -> memref<80xi32, #tpu.memory_space<vmem>>
          %dma_start3A_207 = arith.constant 0 : i32
          %dma_start3A_208 = tpu.memref_slice %arg21[%dma_start3A_207] : memref<10000xf32, #tpu.memory_space<vmem_shared>> -> memref<10000xf32, #tpu.memory_space<vmem_shared>>
          tpu.enqueue_indirect_dma source(%arg19 : memref<80xf32, #tpu.memory_space<vmem>>) target(%dma_start3A_208 : memref<10000xf32, #tpu.memory_space<vmem_shared>>) offsets(%dma_start3A_206 : memref<80xi32, #tpu.memory_space<vmem>>) semaphore(%run_scoped3A : memref<!tpu.dma_semaphore, #tpu.memory_space<semaphore_mem>>) {add = true}
          %dma_wait3A_209 = arith.constant 0 : i32
          %dma_wait3A_210 = tpu.memref_slice %arg13[%add3A_44, %dma_wait3A_209] : memref<250x80xi32, #tpu.memory_space<vmem>> -> memref<1x80xi32, #tpu.memory_space<vmem>>
          %dma_wait3A_211 = tpu.memref_squeeze %dma_wait3A_210 : memref<1x80xi32, #tpu.memory_space<vmem>> -> memref<80xi32, #tpu.memory_space<vmem>>
          %dma_wait3A_212 = arith.constant 0 : i32
          %dma_wait3A_213 = tpu.memref_slice %arg21[%dma_wait3A_212] : memref<10000xf32, #tpu.memory_space<vmem_shared>> -> memref<10000xf32, #tpu.memory_space<vmem_shared>>
          tpu.wait_indirect_dma semaphore(%run_scoped3A : memref<!tpu.dma_semaphore, #tpu.memory_space<semaphore_mem>>) src(%arg19 : memref<80xf32, #tpu.memory_space<vmem>>) dst(%dma_wait3A_213 : memref<10000xf32, #tpu.memory_space<vmem_shared>>)
          tpu.yield
        }) : () -> ()
      } else {
      }
    }
    %scan3A_26 = arith.constant 250 : i32
    %eq3A_27 = arith.constant 0 : i32
    %eq3A_28 = arith.cmpi eq, %arg0, %eq3A_27 : i32
    %convert_element_type3A_29 = arith.extui %eq3A_28 : i1 to i32
    %cond3A_30 = arith.constant 0 : i32
    %cond3A_31 = arith.cmpi ne, %convert_element_type3A_29, %cond3A_30 : i32
    scf.if %cond3A_31 {
      "tpu.region"() ({
        %run_scoped3A = tpu.sem_alloc : memref<!tpu.dma_semaphore, #tpu.memory_space<semaphore_mem>>
        %dma_start3A = arith.constant 0 : i32
        %dma_start3A_40 = arith.constant 0 : i32
        %dma_start3A_41 = tpu.memref_slice %arg9[%arg1, %dma_start3A, %dma_start3A_40] : memref<16x250x80xf32, #tpu.memory_space<hbm>> -> memref<1x250x80xf32, #tpu.memory_space<hbm>>
        %dma_start3A_42 = tpu.memref_squeeze %dma_start3A_41 : memref<1x250x80xf32, #tpu.memory_space<hbm>> -> memref<250x80xf32, #tpu.memory_space<hbm>>
        %dma_start3A_43 = arith.constant 0 : i32
        %dma_start3A_44 = arith.constant 0 : i32
        %dma_start3A_45 = tpu.memref_slice %arg9[%arg1, %dma_start3A_43, %dma_start3A_44] : memref<16x250x80xf32, #tpu.memory_space<hbm>> -> memref<1x250x80xf32, #tpu.memory_space<hbm>>
        %dma_start3A_46 = tpu.memref_squeeze %dma_start3A_45 : memref<1x250x80xf32, #tpu.memory_space<hbm>> -> memref<250x80xf32, #tpu.memory_space<hbm>>
        tpu.enqueue_dma source(%arg17 : memref<250x80xf32, #tpu.memory_space<vmem>>) target(%dma_start3A_46 : memref<250x80xf32, #tpu.memory_space<hbm>>) target_semaphore(%run_scoped3A : memref<!tpu.dma_semaphore, #tpu.memory_space<semaphore_mem>>)
        %dma_wait3A = arith.constant 0 : i32
        %dma_wait3A_47 = arith.constant 0 : i32
        %dma_wait3A_48 = tpu.memref_slice %arg9[%arg1, %dma_wait3A, %dma_wait3A_47] : memref<16x250x80xf32, #tpu.memory_space<hbm>> -> memref<1x250x80xf32, #tpu.memory_space<hbm>>
        %dma_wait3A_49 = tpu.memref_squeeze %dma_wait3A_48 : memref<1x250x80xf32, #tpu.memory_space<hbm>> -> memref<250x80xf32, #tpu.memory_space<hbm>>
        %dma_wait3A_50 = arith.constant 0 : i32
        %dma_wait3A_51 = arith.constant 0 : i32
        %dma_wait3A_52 = tpu.memref_slice %arg9[%arg1, %dma_wait3A_50, %dma_wait3A_51] : memref<16x250x80xf32, #tpu.memory_space<hbm>> -> memref<1x250x80xf32, #tpu.memory_space<hbm>>
        %dma_wait3A_53 = tpu.memref_squeeze %dma_wait3A_52 : memref<1x250x80xf32, #tpu.memory_space<hbm>> -> memref<250x80xf32, #tpu.memory_space<hbm>>
        tpu.wait_dma2 semaphore(%run_scoped3A : memref<!tpu.dma_semaphore, #tpu.memory_space<semaphore_mem>>) src(%arg17 : memref<250x80xf32, #tpu.memory_space<vmem>>) dst(%dma_wait3A_53 : memref<250x80xf32, #tpu.memory_space<hbm>>)
        tpu.yield
      }) : () -> ()
    } else {
    }
    %barrier3A_32 = arith.constant 0 : index
    tpu.barrier barrier_id(%barrier3A_32)
    %mul3A_33 = arith.constant 625 : i32
    %mul3A_34 = arith.muli %arg1, %mul3A_33 : i32
    "tpu.region"() ({
      %run_scoped3A = tpu.sem_alloc : memref<!tpu.dma_semaphore, #tpu.memory_space<semaphore_mem>>
      %dma_start3A = arith.constant 0 : i32
      %dma_start3A_40 = arith.constant 0 : i32
      %dma_start3A_41 = tpu.memref_slice %arg10[%add3A, %dma_start3A, %dma_start3A_40] : memref<32x625x64xf32, #tpu.memory_space<hbm>> -> memref<1x625x64xf32, #tpu.memory_space<hbm>>
      %dma_start3A_42 = tpu.memref_squeeze %dma_start3A_41 : memref<1x625x64xf32, #tpu.memory_space<hbm>> -> memref<625x64xf32, #tpu.memory_space<hbm>>
      %dma_start3A_43 = arith.constant 0 : i32
      %dma_start3A_44 = tpu.memref_slice %arg20[%mul3A_34, %dma_start3A_43] : memref<10000x64xf32, #tpu.memory_space<vmem_shared>> -> memref<625x64xf32, #tpu.memory_space<vmem_shared>>
      tpu.enqueue_dma source(%dma_start3A_44 : memref<625x64xf32, #tpu.memory_space<vmem_shared>>) target(%dma_start3A_42 : memref<625x64xf32, #tpu.memory_space<hbm>>) target_semaphore(%run_scoped3A : memref<!tpu.dma_semaphore, #tpu.memory_space<semaphore_mem>>)
      %dma_wait3A = arith.constant 0 : i32
      %dma_wait3A_45 = arith.constant 0 : i32
      %dma_wait3A_46 = tpu.memref_slice %arg10[%add3A, %dma_wait3A, %dma_wait3A_45] : memref<32x625x64xf32, #tpu.memory_space<hbm>> -> memref<1x625x64xf32, #tpu.memory_space<hbm>>
      %dma_wait3A_47 = tpu.memref_squeeze %dma_wait3A_46 : memref<1x625x64xf32, #tpu.memory_space<hbm>> -> memref<625x64xf32, #tpu.memory_space<hbm>>
      %dma_wait3A_48 = arith.constant 0 : i32
      %dma_wait3A_49 = tpu.memref_slice %arg20[%mul3A_34, %dma_wait3A_48] : memref<10000x64xf32, #tpu.memory_space<vmem_shared>> -> memref<625x64xf32, #tpu.memory_space<vmem_shared>>
      tpu.wait_dma2 semaphore(%run_scoped3A : memref<!tpu.dma_semaphore, #tpu.memory_space<semaphore_mem>>) src(%dma_wait3A_49 : memref<625x64xf32, #tpu.memory_space<vmem_shared>>) dst(%dma_wait3A_47 : memref<625x64xf32, #tpu.memory_space<hbm>>)
      tpu.yield
    }) : () -> ()
    %eq3A_35 = arith.constant 0 : i32
    %eq3A_36 = arith.cmpi eq, %arg1, %eq3A_35 : i32
    %convert_element_type3A_37 = arith.extui %eq3A_36 : i1 to i32
    %cond3A_38 = arith.constant 0 : i32
    %cond3A_39 = arith.cmpi ne, %convert_element_type3A_37, %cond3A_38 : i32
    scf.if %cond3A_39 {
      %eq3A_40 = arith.constant 0 : i32
      %eq3A_41 = arith.cmpi eq, %arg0, %eq3A_40 : i32
      %convert_element_type3A_42 = arith.extui %eq3A_41 : i1 to i32
      %cond3A_43 = arith.constant 0 : i32
      %cond3A_44 = arith.cmpi ne, %convert_element_type3A_42, %cond3A_43 : i32
      scf.if %cond3A_44 {
        "tpu.region"() ({
          %run_scoped3A = tpu.sem_alloc : memref<!tpu.dma_semaphore, #tpu.memory_space<semaphore_mem>>
          tpu.enqueue_dma source(%arg21 : memref<10000xf32, #tpu.memory_space<vmem_shared>>) target(%arg11 : memref<10000xf32, #tpu.memory_space<hbm>>) target_semaphore(%run_scoped3A : memref<!tpu.dma_semaphore, #tpu.memory_space<semaphore_mem>>)
          tpu.wait_dma2 semaphore(%run_scoped3A : memref<!tpu.dma_semaphore, #tpu.memory_space<semaphore_mem>>) src(%arg21 : memref<10000xf32, #tpu.memory_space<vmem_shared>>) dst(%arg11 : memref<10000xf32, #tpu.memory_space<hbm>>)
          tpu.yield
        }) : () -> ()
      } else {
      }
      %eq3A_45 = arith.constant 1 : i32
      %eq3A_46 = arith.cmpi eq, %arg0, %eq3A_45 : i32
      %convert_element_type3A_47 = arith.extui %eq3A_46 : i1 to i32
      %cond3A_48 = arith.constant 0 : i32
      %cond3A_49 = arith.cmpi ne, %convert_element_type3A_47, %cond3A_48 : i32
      scf.if %cond3A_49 {
        "tpu.region"() ({
          %run_scoped3A = tpu.sem_alloc : memref<!tpu.dma_semaphore, #tpu.memory_space<semaphore_mem>>
          tpu.enqueue_dma source(%arg21 : memref<10000xf32, #tpu.memory_space<vmem_shared>>) target(%arg12 : memref<10000xf32, #tpu.memory_space<hbm>>) target_semaphore(%run_scoped3A : memref<!tpu.dma_semaphore, #tpu.memory_space<semaphore_mem>>)
          tpu.wait_dma2 semaphore(%run_scoped3A : memref<!tpu.dma_semaphore, #tpu.memory_space<semaphore_mem>>) src(%arg21 : memref<10000xf32, #tpu.memory_space<vmem_shared>>) dst(%arg12 : memref<10000xf32, #tpu.memory_space<hbm>>)
          tpu.yield
        }) : () -> ()
      } else {
      }
    } else {
    }
    return
  }
}

module attributes {stable_mosaic.version = 14 : i64} {
  func.func @_pre_body(%arg0: memref<10000x128xf32, #tpu.memory_space<vmem>>, %arg1: memref<2x128xf32, #tpu.memory_space<vmem>>, %arg2: memref<2x10000xf32, #tpu.memory_space<vmem>>) attributes {dimension_semantics = [], scalar_prefetch = 0 : i64, scratch_operands = 0 : i64, tpu.core_type = #tpu.core_type<tc>} {
    %get3A = arith.constant 0 : index
    %get3A_0 = arith.constant 0 : index
    %get3A_1 = vector.load %arg1[%get3A, %get3A_0] : memref<2x128xf32, #tpu.memory_space<vmem>>, vector<2x128xf32>
    %get3A_2 = arith.constant 0 : index
    %get3A_3 = arith.constant 0 : index
    %get3A_4 = vector.load %arg0[%get3A_2, %get3A_3] : memref<10000x128xf32, #tpu.memory_space<vmem>>, vector<10000x128xf32>
    %dot_general3A = arith.constant dense<0.000000e+00> : vector<2x10000xf32>
    %dot_general3A_5 = tpu.matmul %get3A_1, %get3A_4, %dot_general3A {dimension_numbers = #tpu.dot_dimension_numbers<[1], [1], [0], [0], [0, 0, 1, 0], [], []>, transpose_lhs_hint = false} : vector<2x128xf32>, vector<10000x128xf32>, vector<2x10000xf32> -> vector<2x10000xf32>
    %swap3A = arith.constant 0 : index
    %swap3A_6 = arith.constant 0 : index
    %swap3A_7 = vector.load %arg2[%swap3A, %swap3A_6] : memref<2x10000xf32, #tpu.memory_space<vmem>>, vector<2x10000xf32>
    tpu.vector_store %arg2[%swap3A, %swap3A_6], %dot_general3A_5 {strides = array<i32>} : memref<2x10000xf32, #tpu.memory_space<vmem>>, vector<2x10000xf32>,
    return
  }
}

module attributes {stable_mosaic.version = 14 : i64} {
  func.func @_post_body(%arg0: memref<2x10000x64xf32, #tpu.memory_space<vmem>>, %arg1: memref<16x250x80xf32, #tpu.memory_space<vmem>>, %arg2: memref<10000xf32, #tpu.memory_space<vmem>>, %arg3: memref<10000xf32, #tpu.memory_space<vmem>>, %arg4: memref<128x128xf32, #tpu.memory_space<vmem>>, %arg5: memref<10000x128xf32, #tpu.memory_space<vmem>>, %arg6: memref<10000xf32, #tpu.memory_space<vmem>>, %arg7: memref<1x1xf32, #tpu.memory_space<vmem>>) attributes {dimension_semantics = [], scalar_prefetch = 0 : i64, scratch_operands = 0 : i64, tpu.core_type = #tpu.core_type<tc>} {
    %get3A = arith.constant 0 : index
    %get3A_0 = arith.constant 0 : index
    %get3A_1 = vector.load %arg4[%get3A, %get3A_0] : memref<128x128xf32, #tpu.memory_space<vmem>>, vector<128x128xf32>
    %get3A_2 = arith.constant 0 : index
    %get3A_3 = arith.constant 0 : index
    %get3A_4 = arith.constant 0 : index
    %get3A_5 = vector.load %arg0[%get3A_2, %get3A_3, %get3A_4] : memref<2x10000x64xf32, #tpu.memory_space<vmem>>, vector<1x10000x64xf32>
    %get3A_6 = vector.shape_cast %get3A_5 : vector<1x10000x64xf32> to vector<10000x64xf32>
    %slice3A = vector.extract_strided_slice %get3A_1 {offsets = [0, 0], sizes = [64, 128], strides = [1, 1]} : vector<128x128xf32> to vector<64x128xf32>
    %dot_general3A = arith.constant dense<0.000000e+00> : vector<10000x128xf32>
    %dot_general3A_7 = tpu.matmul %get3A_6, %slice3A, %dot_general3A {dimension_numbers = #tpu.dot_dimension_numbers<[1], [0], [0], [1], [0, 0, 1, 1], [], []>, transpose_lhs_hint = false} : vector<10000x64xf32>, vector<64x128xf32>, vector<10000x128xf32> -> vector<10000x128xf32>
    %get3A_8 = arith.constant 1 : index
    %get3A_9 = arith.constant 0 : index
    %get3A_10 = arith.constant 0 : index
    %get3A_11 = vector.load %arg0[%get3A_8, %get3A_9, %get3A_10] : memref<2x10000x64xf32, #tpu.memory_space<vmem>>, vector<1x10000x64xf32>
    %get3A_12 = vector.shape_cast %get3A_11 : vector<1x10000x64xf32> to vector<10000x64xf32>
    %slice3A_13 = vector.extract_strided_slice %get3A_1 {offsets = [64, 0], sizes = [64, 128], strides = [1, 1]} : vector<128x128xf32> to vector<64x128xf32>
    %dot_general3A_14 = arith.constant dense<0.000000e+00> : vector<10000x128xf32>
    %dot_general3A_15 = tpu.matmul %get3A_12, %slice3A_13, %dot_general3A_14 {dimension_numbers = #tpu.dot_dimension_numbers<[1], [0], [0], [1], [0, 0, 1, 1], [], []>, transpose_lhs_hint = false} : vector<10000x64xf32>, vector<64x128xf32>, vector<10000x128xf32> -> vector<10000x128xf32>
    %add3A = arith.addf %dot_general3A_7, %dot_general3A_15 : vector<10000x128xf32>
    %swap3A = arith.constant 0 : index
    %swap3A_16 = arith.constant 0 : index
    %swap3A_17 = vector.load %arg5[%swap3A, %swap3A_16] : memref<10000x128xf32, #tpu.memory_space<vmem>>, vector<10000x128xf32>
    tpu.vector_store %arg5[%swap3A, %swap3A_16], %add3A {strides = array<i32>} : memref<10000x128xf32, #tpu.memory_space<vmem>>, vector<10000x128xf32>,
    %get3A_18 = arith.constant 0 : index
    %get3A_19 = vector.load %arg2[%get3A_18] : memref<10000xf32, #tpu.memory_space<vmem>>, vector<10000xf32>
    %get3A_20 = arith.constant 0 : index
    %get3A_21 = vector.load %arg3[%get3A_20] : memref<10000xf32, #tpu.memory_space<vmem>>, vector<10000xf32>
    %max3A = arith.constant 1.000000e+00 : f32
    %max3A_22 = vector.broadcast %max3A : f32 to vector<10000xf32>
    %max3A_23 = arith.maximumf %get3A_21, %max3A_22 : vector<10000xf32>
    %div3A = arith.divf %get3A_19, %max3A_23 : vector<10000xf32>
    %swap3A_24 = arith.constant 0 : index
    %swap3A_25 = vector.load %arg6[%swap3A_24] : memref<10000xf32, #tpu.memory_space<vmem>>, vector<10000xf32>
    tpu.vector_store %arg6[%swap3A_24], %div3A {strides = array<i32>} : memref<10000xf32, #tpu.memory_space<vmem>>, vector<10000xf32>,
    %get3A_26 = arith.constant 0 : index
    %get3A_27 = arith.constant 0 : index
    %get3A_28 = arith.constant 0 : index
    %get3A_29 = vector.load %arg1[%get3A_26, %get3A_27, %get3A_28] : memref<16x250x80xf32, #tpu.memory_space<vmem>>, vector<16x250x80xf32>
    %div3A_30 = arith.constant 5.000000e-01 : f32
    %div3A_31 = vector.broadcast %div3A_30 : f32 to vector<16x250x80xf32>
    %div3A_32 = arith.divf %get3A_29, %div3A_31 : vector<16x250x80xf32>
    %add3A_33 = arith.constant 9.99999997E-7 : f32
    %add3A_34 = vector.broadcast %add3A_33 : f32 to vector<16x250x80xf32>
    %add3A_35 = arith.addf %div3A_32, %add3A_34 : vector<16x250x80xf32>
    %log3A = math.log %add3A_35 : vector<16x250x80xf32>
    %mul3A = arith.mulf %get3A_29, %log3A : vector<16x250x80xf32>
    %sub3A = arith.constant 1.000000e+00 : f32
    %sub3A_36 = vector.broadcast %sub3A : f32 to vector<16x250x80xf32>
    %sub3A_37 = arith.subf %sub3A_36, %get3A_29 : vector<16x250x80xf32>
    %sub3A_38 = arith.constant 1.000000e+00 : f32
    %sub3A_39 = vector.broadcast %sub3A_38 : f32 to vector<16x250x80xf32>
    %sub3A_40 = arith.subf %sub3A_39, %get3A_29 : vector<16x250x80xf32>
    %div3A_41 = arith.constant 5.000010e-01 : f32
    %div3A_42 = vector.broadcast %div3A_41 : f32 to vector<16x250x80xf32>
    %div3A_43 = arith.divf %sub3A_40, %div3A_42 : vector<16x250x80xf32>
    %add3A_44 = arith.constant 9.99999997E-7 : f32
    %add3A_45 = vector.broadcast %add3A_44 : f32 to vector<16x250x80xf32>
    %add3A_46 = arith.addf %div3A_43, %add3A_45 : vector<16x250x80xf32>
    %log3A_47 = math.log %add3A_46 : vector<16x250x80xf32>
    %mul3A_48 = arith.mulf %sub3A_37, %log3A_47 : vector<16x250x80xf32>
    %add3A_49 = arith.addf %mul3A, %mul3A_48 : vector<16x250x80xf32>
    %reduce_sum3A = vector.shape_cast %add3A_49 : vector<16x250x80xf32> to vector<1x16x250x80xf32>
    %reduce_sum3A_50 = arith.constant dense<0.000000e+00> : vector<1xf32>
    %reduce_sum3A_51 = vector.multi_reduction <add>, %reduce_sum3A, %reduce_sum3A_50 [1, 2, 3] : vector<1x16x250x80xf32> to vector<1xf32>
    %reduce_sum3A_52 = vector.shape_cast %reduce_sum3A_51 : vector<1xf32> to vector<1x1x1x1xf32>
    %reduce_sum3A_53 = vector.extract %reduce_sum3A_52[0, 0, 0, 0] : f32 from vector<1x1x1x1xf32>
    %div3A_54 = arith.constant 3.200000e+05 : f32
    %div3A_55 = arith.divf %reduce_sum3A_53, %div3A_54 : f32
    %reshape3A = vector.broadcast %div3A_55 : f32 to vector<1x1xf32>
    %swap3A_56 = arith.constant 0 : index
    %swap3A_57 = arith.constant 0 : index
    %swap3A_58 = vector.load %arg7[%swap3A_56, %swap3A_57] : memref<1x1xf32, #tpu.memory_space<vmem>>, vector<1x1xf32>
    tpu.vector_store %arg7[%swap3A_56, %swap3A_57], %reshape3A {strides = array<i32>} : memref<1x1xf32, #tpu.memory_space<vmem>>, vector<1x1xf32>,
    return
  }
}

</mosaic_0001>

<sc_bundles>
// kernel: kernel.5.cloned.1.call-start
scs
__scs_entry_jumppad:
0x0: {  	(pc) =	sbr.rel $0x88, $3  }
0x1: {  	(tag) =	ssettag $0x0;
	lr =	simm.s32 $0x1  }
0x2: {  	[smem:$0x3F9D] =	sst lr;
	_ =	strace $0xD0000000  }
0x3: {  	_ = 	snop  }
0x4: {  	_ = 	snop  }
0x5: {  	_ = 	snop  }
0x6: {  	_ = 	snop  }
0x7: {  	_ = 	snop  }
__scs_overlays_trampoline_lowered:
0x8: {  	[smem:$0x3FAC] =	sst s0  }
0x9: {  	[smem:$0x3FAD] =	sst s1  }
0xa: {  	[smem:$0x3FAE] =	sst s2  }
0xb: {  	[smem:$0x3FAF] =	sst s3  }
0xc: {  	[smem:$0x3FB0] =	sst s4  }
0xd: {  	[smem:$0x3FB1] =	sst s5  }
0xe: {  	[smem:$0x3FB2] =	sst s6  }
0xf: {  	[smem:$0x3FB3] =	sst s7  }
0x10: {  	[smem:$0x3FB4] =	sst s8  }
0x11: {  	[smem:$0x3FB5] =	sst s9;
	s0 =	simm.s32 @!p0 $0x0  }
0x12: {  	s1 =	sld [smem:$0x3F9B];
	s0 =	simm.s32 @p0 $0x1  }
0x13: {  	[smem:$0x3FB6] =	sst s0;
	s0 =	simm.s32 @!p1 $0x0  }
0x14: {  	s2 =	sld [smem:$0x3F9A];
	s0 =	simm.s32 @p1 $0x1  }
0x15: {  	[smem:$0x3FB7] =	sst s0;
	s0 =	simm.s32 @!p2 $0x0  }
0x16: {  	s3 =	sld [smem:$0x3FDB];
	s0 =	simm.s32 @p2 $0x1  }
0x17: {  	s4 =	simm.s32 $0x1BF5;
	[smem:$0x3FB9] =	sst s0  }
0x18: {  	s0 =	sld [smem:$0x3F9C];
	_ =	swait.ge [sflag:s4], $0x0  }
0x19: {  	s7 =	sld [smem:$0x3F9D]  }
0x1a: {  	s8 =	sadd.s32 $0xFFFFE003, lr  }
0x1b: {  	s9 =	sadd.s32 $0xFFFFFEF7, lr;
	s5 =	simm.s32 $0xFFFFFFFF;
	p2 =	slt.u32 s8, $0xFFFFF086  }
0x1c: {  	p1 =	slt.u32 s9, $0xF7A;
	s5 =	simm.s32 @!p2 $0x0  }
0x1d: {  	s5 =	simm.s32 @p1 $0x1;
	p0 =	seq.s32 s7, s2  }
0x1e: {  	s7 =	smul.u32 @!p0 $0xF7A, s2;
	p2 =	seq.s32 @!p0 s5, $0x0  }
0x1f: {  	s9 =	smul.u32 $0xF7A, s1;
	s8 =	simm.s32 @!p0 $0x1BF5;
	p2 =	por !p2, p0  }
0x20: {  	[sflag:s8] =	ssyncset.s32 @!p0 $0xFFFFF086;
	s6 =	sadd.s32 @!p0 s3, s7;
	s7 =	simm.s32 @!p0 $0x108  }
0x21: {  	s3 =	sadd.s32 s3, s9;
	s6 =	sadd.s32 @!p0 $0x88, s6;
	s7 =	simm.s32 @p2 $0x1082  }
0x22: {  	[simem:s7], [sflag:s8] =	dma.local @!p0 [hbm:s6], $0xF7A  }
0x23: {  	s9 =	sor.u32 $0xD0000000, s2;
	s6 =	simm.s32 $0x108;
	_ =	swait.ge @!p0 [sflag:s8], $0x0  }
0x24: {  	s3 =	sadd.s32 $0x88, s3;
	s6 =	simm.s32 @!p1 $0x1082;
	[sflag:s4] =	ssyncset.s32 $0xFFFFF086  }
0x25: {  	[simem:s6], [sflag:s4] =	dma.local [hbm:s3], $0xF7A  }
0x26: {  	[smem:$0x3F9D] =	sst s1;
	(tag) =	ssettag s2;
	_ =	strace s9  }
0x27: {  	s1 =	sld [smem:$0x3FAD]  }
0x28: {  	s2 =	sld [smem:$0x3FAE]  }
0x29: {  	s4 =	sld [smem:$0x3FB0]  }
0x2a: {  	p0 =	seq.s32 s5, $0x0;
	s5 =	sld [smem:$0x3FB1]  }
0x2b: {  	s6 =	sld [smem:$0x3FB2]  }
0x2c: {  	s7 =	sld [smem:$0x3FB3]  }
0x2d: {  	s3 =	simm.s32 $0x108;
	s8 =	sld [smem:$0x3FB4]  }
0x2e: {  	s3 =	simm.s32 @!p0 $0x1082;
	s9 =	sld [smem:$0x3FB5]  }
0x2f: {  	lr =	sadd.s32 s0, s3;
	s0 =	sld [smem:$0x3FAC]  }
0x30: {  	s3 =	sld [smem:$0x3FAF]  }
0x31: {  	[smem:$0x3FB8] =	sst s10  }
0x32: {  	s10 =	sld [smem:$0x3FB6];
	_ =	sdelay $0x3  }
0x33: {  	p0 =	seq.s32 s10, $0x1;
	s10 =	sld [smem:$0x3FB8];
	_ =	sdelay $0x3  }
0x34: {  	[smem:$0x3FB8] =	sst s10  }
0x35: {  	s10 =	sld [smem:$0x3FB7];
	_ =	sdelay $0x3  }
0x36: {  	p1 =	seq.s32 s10, $0x1;
	s10 =	sld [smem:$0x3FB8];
	_ =	sdelay $0x3  }
0x37: {  	[smem:$0x3FB8] =	sst s10  }
0x38: {  	s10 =	sld [smem:$0x3FB9]  }
0x39: {  	_ = 	snop;
	(pc) =	sbr.ind lr, $3  }
0x3a: {  	_ = 	snop  }
0x3b: {  	_ = 	snop  }
0x3c: {  	p2 =	seq.s32 s10, $0x1;
	s10 =	sld [smem:$0x3FB8]  }
0x3d: {  	_ =	shalt  }
0x3e: {  	_ =	shalt  }
0x3f: {  	_ =	shalt  }
0x40: {  	_ =	shalt  }
0x41: {  	_ =	shalt  }
0x42: {  	_ =	shalt  }
0x43: {  	_ =	shalt  }
0x44: {  	_ =	shalt  }
0x45: {  	_ =	shalt  }
0x46: {  	_ =	shalt  }
0x47: {  	_ =	shalt  }
0x48: {  	_ =	shalt  }
0x49: {  	_ =	shalt  }
0x4a: {  	_ =	shalt  }
0x4b: {  	_ =	shalt  }
0x4c: {  	_ =	shalt  }
0x4d: {  	_ =	shalt  }
0x4e: {  	_ =	shalt  }
0x4f: {  	_ =	shalt  }
0x50: {  	_ =	shalt  }
0x51: {  	_ =	shalt  }
0x52: {  	_ =	shalt  }
0x53: {  	_ =	shalt  }
0x54: {  	_ =	shalt  }
0x55: {  	_ =	shalt  }
0x56: {  	_ =	shalt  }
0x57: {  	_ =	shalt  }
0x58: {  	_ =	shalt  }
0x59: {  	_ =	shalt  }
0x5a: {  	_ =	shalt  }
0x5b: {  	_ =	shalt  }
0x5c: {  	_ =	shalt  }
0x5d: {  	_ =	shalt  }
0x5e: {  	_ =	shalt  }
0x5f: {  	_ =	shalt  }
0x60: {  	_ =	shalt  }
0x61: {  	_ =	shalt  }
0x62: {  	_ =	shalt  }
0x63: {  	_ =	shalt  }
0x64: {  	_ =	shalt  }
0x65: {  	_ =	shalt  }
0x66: {  	_ =	shalt  }
0x67: {  	_ =	shalt  }
0x68: {  	_ =	shalt  }
0x69: {  	_ =	shalt  }
0x6a: {  	_ =	shalt  }
0x6b: {  	_ =	shalt  }
0x6c: {  	_ =	shalt  }
0x6d: {  	_ =	shalt  }
0x6e: {  	_ =	shalt  }
0x6f: {  	_ =	shalt  }
0x70: {  	_ =	shalt  }
0x71: {  	_ =	shalt  }
0x72: {  	_ =	shalt  }
0x73: {  	_ =	shalt  }
0x74: {  	_ =	shalt  }
0x75: {  	_ =	shalt  }
0x76: {  	_ =	shalt  }
0x77: {  	_ =	shalt  }
0x78: {  	_ =	shalt  }
0x79: {  	_ =	shalt  }
0x7a: {  	_ =	shalt  }
0x7b: {  	_ =	shalt  }
0x7c: {  	_ =	shalt  }
0x7d: {  	_ =	shalt  }
0x7e: {  	_ =	shalt  }
0x7f: {  	_ =	shalt  }
0x80: {  	_ =	shalt  }
0x81: {  	_ =	shalt  }
0x82: {  	_ =	shalt  }
0x83: {  	_ =	shalt  }
0x84: {  	_ =	shalt  }
0x85: {  	_ =	shalt  }
0x86: {  	_ =	shalt  }
0x87: {  	_ =	shalt  }
.Lfunc_end0:
.L_simem_size_0:
called_computation_lowered:
.L_overlay_start_0:
0x88: {  	s2 =	sld [smem:$0x3FD9]  }
0x89: {  	s3 =	sld [smem:$0x3FFE];
	_ =	sdelay $0x1  }
0x8a: {  	s1 =	srdreg.scid  }
0x8b: {  	s0 =	sand.u32 $0x1, s1  }
0x8c: {  	s14 =	sshll.u32 s0, $0xA;
	s2 =	sadd.s32 s3, s2  }
0x8d: {  	s2 =	sadd.s32 s2, s14  }
0x8e: {  	[smem:$0x3FC4] =	sst s2  }
0x8f: {  	_ = 	snop  }
0x90: {  	s2 =	sld [smem:$0x3FD0];
	_ =	sdelay $0x2  }
0x91: {  	s15 =	simm.s32 $0xA;
	s4 =	simm.s32 $0x10  }
0x92: {  	[smem:s4], [sflag:s15] =	dma.local [hbm:s2], $0x1  }
0x93: {  	_ =	swait.eq [sflag:s15], $0x1  }
0x94: {  	s16 =	sld [smem:$0x10];
	[sflag:s15] =	ssyncset.done $0x0  }
0x95: {  	s17 =	sld [smem:$0x11];
	[sflag:s15] =	ssyncadd.s32 $0xFFFFFFFF  }
0x96: {  	s18 =	sld [smem:$0x12];
	(tm) =	ssettm $0x1  }
0x97: {  	s5 =	sld [smem:$0x3FFB];
	_ =	sdelay $0x3  }
0x98: {  	_ =	strace s5  }
0x99: {  	s5 =	sld [smem:$0x3FFC];
	_ =	sdelay $0x3  }
0x9a: {  	_ =	strace s5  }
0x9b: {  	s5 =	sld [smem:$0x3FFD];
	_ =	sdelay $0x3  }
0x9c: {  	_ =	strace s5  }
0x9d: {  	_ =	strace $0x8FFFFFFF  }
0x9e: {  	s19 =	sld [smem:$0x3FDB];
	_ =	sdelay $0x1  }
0x9f: {  	s6 =	simm.s32 $_scs_section_size  }
0xa0: {  	s7 =	simm.s32 $_size__tile_overlayer_lowered;
	s8 =	simm.s32 $_tile_overlayer_lowered  }
0xa1: {  	s22 =	simm.s32 $0x1BFF;
	s21 =	sshll.u32 s8, $0x1;
	s5 =	sadd.s32 s6, s19  }
0xa2: {  	s9 =	simm.s32 $0x0;
	s20 =	sshll.u32 s7, $0x1;
	s7 =	sadd.s32 s21, s5  }
0xa3: {  	[timem:s9], [sflag:s22] =	dma.local [hbm:s7], s20  }
0xa4: {  	_ =	swait.ge [sflag:s22], s20  }
0xa5: {  	s6 =	ssub.s32 $0x0, s20;
	[sflag:s22] =	ssyncset.done $0x0  }
0xa6: {  	[sflag:s22] =	ssyncadd.s32 s6;
	_ =	sdelay $0x1  }
0xa7: {  	s23 =	simm.s32 $0x1B8B  }
0xa8: {  	_ =	swait.ge [sflag:s23], $0x1  }
0xa9: {  	[sflag:s23] =	ssyncset.done $0x0  }
0xaa: {  	s25 =	simm.s32 $0x1B8E;
	s24 =	sld [smem:$0x3FFE];
	[sflag:s23] =	ssyncadd.s32 $0xFFFFFFFF  }
0xab: {  	s26 =	simm.s32 $execute0_lowered;
	[smem:$0x3FD2] =	sst s25  }
0xac: {  	s7 =	sshll.u32 s26, $0x1;
	_ =	strace $0x80000046;
	[dreg:$0x1] =	wrdreg $0xFFFFFFFF  }
0xad: {  	s28 =	simm.s32 $_size_execute0_lowered;
	s5 =	sadd.s32 s5, s7;
	[dreg:$0x0] =	wrdreg $0x0  }
0xae: {  	s7 =	sshll.u32 s28, $0x1;
	[dreg:$0x2] =	wrdreg s5  }
0xaf: {  	[dreg:$0x3] =	wrdreg s7  }
0xb0: {  	[dreg:$0x4] =	wrdreg $0xC0  }
0xb1: {  	_ =	task [dreg:s9], $0x5FFFF  }
0xb2: {  	[dreg:$0x1] =	wrdreg $0xFFFFFFFF  }
0xb3: {  	[dreg:$0x0] =	wrdreg $0x60  }
0xb4: {  	[dreg:$0x2] =	wrdreg s16  }
0xb5: {  	[dreg:$0x3] =	wrdreg s24  }
0xb6: {  	[dreg:$0x4] =	wrdreg s17  }
0xb7: {  	[dreg:$0x5] =	wrdreg s18  }
0xb8: {  	[dreg:$0x6] =	wrdreg $0x14CD00  }
0xb9: {  	[dreg:$0x7] =	wrdreg $0x1E9100  }
0xba: {  	[dreg:$0x8] =	wrdreg $0x9  }
0xbb: {  	_ =	task.clear_ibuf [dreg:s9], $0x9FFFF;
	_ =	strace $0x90000046  }
0xbc: {  	s29 =	simm.s32 $0x9;
	_ =	strace $0x80000048  }
0xbd: {  	_ =	swait.ge [sflag:s29], $0x1  }
0xbe: {  	[sflag:s29] =	ssyncadd.s32 $0xFFFFFFFF  }
0xbf: {  	_ =	strace $0x90000048  }
0xc0: {  	_ =	sfence  }
0xc1: {  	s30 =	sld [smem:$0x0];
	_ =	sdelay $0x2  }
0xc2: {  	s31 =	sshll.u32 s1, $0xD;
	s1 =	sshrl.u32 s1, $0x2  }
0xc3: {  	s3 =	sand.u32 $0x4000, s31;
	s1 =	sadd.s32 s1, s30  }
0xc4: {  	s0 =	sor.u32 s3, s0;
	s1 =	sshll.u32 s1, $0x11  }
0xc5: {  	s0 =	sor.u32 s1, s0  }
0xc6: {  	s0 =	sadd.s32 $0x8F2B, s0  }
0xc7: {  	[sflag:s0] =	ssyncadd.remote.s32 $0x1  }
0xc8: {  	_ =	sfence.sel $0xFFFF  }
0xc9: {  	[dreg:$0x0] =	wrdreg $0xFFFFFFFF;
	(pc) =	sbr.abs _section_cstart, $3  }
0xca: {  	[dreg:$0x1] =	wrdreg $0xFFFFFFFF  }
0xcb: {  	_ =	task.clear_ibuf [dreg:s9], $0x2FFFF;
	_ =	strace $0x9FFFFFFF  }
0xcc: {  	(tm) =	ssettm $0x7FFFFFFF  }
0xcd: {  	_ =	shalt  }
tec
execute0_lowered:
.L_overlay_start_1:
0x0: {  	(tag) =	ssettag $0x1  }
0x1: {  	s0 =	rddreg [dreg:$0x0]  }
0x2: {  	s1 =	rddreg [dreg:$0x1]  }
0x3: {  	s3 =	rddreg [dreg:$0x4]  }
0x4: {  	s4 =	rddreg [dreg:$0x5];
	s5 =	simm.s32 $0x0  }
0x5: {  	s2 =	stileid.u32;
	s6 =	srdreg.scid;
	s17 =	simm.s32 $0x9C40  }
0x6: {  	s18 =	simm.s32 $0xC350;
	s22 =	simm.s32 $0x50;
	s28 =	simm.s32 $0x14C80  }
0x7: {  	s29 =	simm.s32 $0x0;
	[smem:$0x7FF] =	sst s5;
	s7 =	smul.u32 $0x1388, s2  }
0x8: {  	s11 =	sand.u32 $0x1, s6;
	s23 =	smul.u32 $0x9C4, s2;
	s24 =	sadd.s32 $0x28400, s1  }
0x9: {  	s13 =	smul.u32 $0x27100, s2;
	s31 =	sshll.u32 s2, $0x6;
	_ =	strace $0x80000047  }
0xa: {  	s6 =	sshll.u32 s11, $0x4;
	[dreg:$0x7] =	wrdreg s24;
	s10 =	ssub.s32 $0x2, s11  }
0xb: {  	s26 =	smul.u32 $0x13880, s11;
	p0 =	seq.s32 s11, $0x0;
	s19 =	sor.u32 $0x1C02, s31  }
0xc: {  	s24 =	simm.s32 $0x1;
	p1 =	sne.s32 s11, $0x0;
	s9 =	sadd.s32 s7, s1  }
0xd: {  	s8 =	sor.u32 s2, s6;
	s12 =	sadd.s32 s23, s1;
	s25 =	sshrl.u32 s10, $0x1  }
0xe: {  	s13 =	sshrl.u32 s13, $0x2;
	s23 =	simm.s32 $0x13880;
	s8 =	smul.u32 $0x1388, s8  }
0xf: {  	s15 =	ssub.s32 s10, s25;
	s7 =	sadd.s32 $0xAC00, s12;
	s16 =	sadd.s32 s13, s3  }
0x10: {  	s9 =	sadd.s32 $0x14A00, s9;
	s10 =	sadd.s32 s0, s26;
	s30 =	sadd.s32 $0x28A00, s12  }
.Ltmp0:
0x11: {  	s0 =	simm.s32 $0x59A00;
	s25 =	simm.s32 $0xEA60;
	(pc) =	sbr.rel .LBB2_1-.Ltmp0, $4  }
0x12: {  	s26 =	simm.s32 $0x3;
	[dreg:$0x8] =	wrdreg s30;
	s13 =	smax.u32 s15, $0x1  }
0x13: {  	s0 =	simm.s32 @!p0 $0x5A000;
	p0 =	sne.s32 s2, $0x0;
	s15 =	simm.s32 $0x2  }
0x14: {  	s20 =	sshrl.u32 s16, $0x3;
	s14 =	sadd.s32 s8, s1;
	s8 =	sadd.s32 $0xE00, s12  }
0x15: {  	v0 =	vimm.f32 $1.000000000e+00;
	s21 =	sshrl.u32 @!p0 s4, $0x3;
	s12 =	sadd.s32 $0x32800, s14;
	s14 =	sadd.s32 s0, s1  }
.LBB2_7:
0x16: {  	[bflag:$0x0] =	sbarrier.arrive $0xFFFF  }
0x17: {  	[hbm:s12], [sflag:s19] =	dma.local [spmem:s20], $0x1388  }
0x18: {  	s29 =	sadd.s32 $0x1, s29;
	_ =	swait.ge [sflag:s15], $0x1388  }
0x19: {  	p2 =	sne.s32 s29, s13;
	[sflag:s15] =	ssyncset.done $0x0  }
.Ltmp1:
0x1a: {  	s0 =	simm.s32 @!p0 $0x2;
	[sflag:s15] =	ssyncadd.s32 $0xFFFFEC78;
	(pc) =	sbr.rel @!p2 .LBB2_8-.Ltmp1, $4  }
0x1b: {  	[hbm:s14], [sflag:s19] =	dma.local @!p0 [spmem:s21], $0x4E2  }
0x1c: {  	_ =	swait.ge @!p0 [sflag:s0], $0x4E2  }
0x1d: {  	[sflag:s0] =	ssyncset.done @!p0 $0x0  }
0x1e: {  	[sflag:s0] =	ssyncadd.s32 @!p0 $0xFFFFFB1E  }
.LBB2_1:
0x1f: {  	[tilespmem:s5], [sflag:$0x2] =	stream.linear.gather [hbm4b:s7+s5], $0x4E20, $0x38;
	[tilespmem:$0x1EB88] =	vst v63  }
0x20: {  	_ =	swait.ge [sflag:s15], $0x4E20  }
0x21: {  	[sflag:s15] =	ssyncset.done $0x0  }
0x22: {  	s0 =	simm.s32 $0x4E20;
	[sflag:s15] =	ssyncadd.s32 $0xFFFFB1E0  }
0x23: {  	[tilespmem:s0], [sflag:$0x2] =	stream.linear.gather [hbm4b:s8+s5], $0x4E20, $0x38;
	[tilespmem:$0x1EB88] =	vst v63  }
0x24: {  	_ =	swait.ge [sflag:s15], $0x4E20  }
0x25: {  	[sflag:s15] =	ssyncset.done $0x0  }
0x26: {  	[sflag:s15] =	ssyncadd.s32 $0xFFFFB1E0  }
0x27: {  	s16 =	rddreg [dreg:$0x2]  }
0x28: {  	[tilespmem:s17], [sflag:$0x2] =	stream.linear.gather [hbm4b:s16+s5], $0x2710, $0x38;
	[tilespmem:$0x1EB88] =	vst v63  }
0x29: {  	_ =	swait.ge [sflag:s15], $0x2710  }
0x2a: {  	[sflag:s15] =	ssyncset.done $0x0  }
0x2b: {  	[sflag:s15] =	ssyncadd.s32 $0xFFFFD8F0  }
0x2c: {  	s31 =	rddreg [dreg:$0x3]  }
0x2d: {  	[tilespmem:s18], [sflag:$0x2] =	stream.linear.gather [hbm4b:s31+s5], $0x2710, $0x38;
	[tilespmem:$0x1EB88] =	vst v63  }
0x2e: {  	_ =	swait.ge [sflag:s15], $0x2710  }
0x2f: {  	[sflag:s15] =	ssyncset.done $0x0  }
0x30: {  	[sflag:s15] =	ssyncadd.s32 $0xFFFFD8F0  }
0x31: {  	[tilespmem:$0x14C80] =	vst v0  }
0x32: {  	[tilespmem:$0x14C90] =	vst v0  }
0x33: {  	[tilespmem:$0x14CA0] =	vst v0  }
0x34: {  	[tilespmem:$0x14CB0] =	vst v0  }
0x35: {  	[tilespmem:$0x14CC0] =	vst v0  }
0x36: {  	[spmem:s20], [sflag:s19] =	dma.local [hbm:s9], $0x1388  }
0x37: {  	_ =	swait.ge [sflag:s15], $0x1388  }
0x38: {  	[sflag:s15] =	ssyncset.done $0x0  }
0x39: {  	s0 =	rddreg [dreg:$0x7];
	[sflag:s15] =	ssyncadd.s32 $0xFFFFEC78  }
0x3a: {  	[spmem:s21], [sflag:s19] =	dma.local @!p0 [hbm:s0], $0x4E2  }
0x3b: {  	s0 =	simm.s32 @!p0 $0x2  }
.Ltmp2:
0x3c: {  	_ =	swait.ge @!p0 [sflag:s0], $0x4E2;
	(pc) =	sbr.rel .LBB2_2-.Ltmp2, $4  }
0x3d: {  	[sflag:s0] =	ssyncset.done @!p0 $0x0  }
0x3e: {  	[sflag:s0] =	ssyncadd.s32 @!p0 $0xFFFFFB1E  }
0x3f: {  	[bflag:$0x0] =	sbarrier.arrive $0xFFFF  }
0x40: {  	s30 =	simm.s32 $0x0  }
.LBB2_9:
.Ltmp3:
0x41: {  	(pc) =	sbr.rel @p2 .LBB2_7-.Ltmp3, $4  }
0x42: {  	[spmem:s4] =	stream.indirect.scatter.add.f32 [tilespmem:s28], [sflag:$0x2], $0x1, s31, s22, $0xb8;
	[tilespmem:$0x1EB88] =	vst v63  }
0x43: {  	_ =	swait.ge [sflag:s15], $0x50  }
0x44: {  	[sflag:s15] =	ssyncset.done $0x0  }
0x45: {  	[sflag:s15] =	ssyncadd.s32 $0xFFFFFFB0  }
.LBB2_2:
0x46: {  	s31 =	smul.u32 $0x50, s30;
	_ =	sdelay $0x1  }
0x47: {  	v1 =	vld [tilespmem:s31+$0x0]  }
0x48: {  	v2 =	vld [tilespmem:s31+$0x4E20];
	_ =	sdelay $0x6  }
0x49: {  	v1 =	vld.idx.msk [tilespmem:v1+s17+$0x0], $0xffff  }
0x4a: {  	v2 =	vld.idx.msk [tilespmem:v2+s18+$0x0], $0xffff;
	_ =	sdelay $0x4  }
0x4b: {  	v1 =	vadd.f32 v2, v1;
	_ =	sdelay $0x1  }
0x4c: {  	v2 =	vand.u32 $0x7FFFFFFF, v1  }
0x4d: {  	v2 =	vsub.f32 $0.0e+00, v2;
	_ =	sdelay $0x1  }
0x4e: {  	v2 =	vmul.f32 $1.442695020e+00, v2;
	_ =	sdelay $0x1  }
0x4f: {  	(erf) = vpow2.f32 v2;
	_ =	sdelay $0x8  }
0x50: {  	v2 =	vpop (erf)  }
0x51: {  	v3 =	vadd.f32 $1.000000000e+00, v2;
	_ =	sdelay $0x1  }
0x52: {  	(erf) = vrcp.f32 v3;
	_ =	sdelay $0x4  }
0x53: {  	v3 =	vld [tilespmem:s31+$0x10]  }
0x54: {  	v4 =	vld [tilespmem:s31+$0x4E30];
	_ =	sdelay $0x1  }
0x55: {  	vm0 =	vge.f32 v1, $0.0e+00  }
0x56: {  	v1 =	vsel vm0, $0x3F800000, v2;
	v2 =	vpop (erf)  }
0x57: {  	v1 =	vmul.f32 v2, v1;
	_ =	sdelay $0x1  }
0x58: {  	[tilespmem:s31+$0xEA60] =	vst v1  }
0x59: {  	v1 =	vld.idx.msk [tilespmem:v3+s17+$0x0], $0xffff  }
0x5a: {  	v2 =	vld.idx.msk [tilespmem:v4+s18+$0x0], $0xffff;
	_ =	sdelay $0x4  }
0x5b: {  	v1 =	vadd.f32 v2, v1;
	_ =	sdelay $0x1  }
0x5c: {  	v2 =	vand.u32 $0x7FFFFFFF, v1  }
0x5d: {  	v2 =	vsub.f32 $0.0e+00, v2;
	_ =	sdelay $0x1  }
0x5e: {  	v2 =	vmul.f32 $1.442695020e+00, v2;
	_ =	sdelay $0x1  }
0x5f: {  	(erf) = vpow2.f32 v2;
	_ =	sdelay $0x8  }
0x60: {  	v2 =	vpop (erf)  }
0x61: {  	v3 =	vadd.f32 $1.000000000e+00, v2;
	_ =	sdelay $0x1  }
0x62: {  	(erf) = vrcp.f32 v3;
	_ =	sdelay $0x4  }
0x63: {  	v3 =	vld [tilespmem:s31+$0x20]  }
0x64: {  	v4 =	vld [tilespmem:s31+$0x4E40];
	_ =	sdelay $0x1  }
0x65: {  	vm12 =	vge.f32 v1, $0.0e+00  }
0x66: {  	v1 =	vsel vm12, $0x3F800000, v2;
	v2 =	vpop (erf)  }
0x67: {  	v1 =	vmul.f32 v2, v1;
	_ =	sdelay $0x1  }
0x68: {  	[tilespmem:s31+$0xEA70] =	vst v1  }
0x69: {  	v1 =	vld.idx.msk [tilespmem:v3+s17+$0x0], $0xffff  }
0x6a: {  	v2 =	vld.idx.msk [tilespmem:v4+s18+$0x0], $0xffff;
	_ =	sdelay $0x4  }
0x6b: {  	v1 =	vadd.f32 v2, v1;
	_ =	sdelay $0x1  }
0x6c: {  	v2 =	vand.u32 $0x7FFFFFFF, v1  }
0x6d: {  	v2 =	vsub.f32 $0.0e+00, v2;
	_ =	sdelay $0x1  }
0x6e: {  	v2 =	vmul.f32 $1.442695020e+00, v2;
	_ =	sdelay $0x1  }
0x6f: {  	(erf) = vpow2.f32 v2;
	_ =	sdelay $0x8  }
0x70: {  	v2 =	vpop (erf)  }
0x71: {  	v3 =	vadd.f32 $1.000000000e+00, v2;
	_ =	sdelay $0x1  }
0x72: {  	(erf) = vrcp.f32 v3;
	_ =	sdelay $0x4  }
0x73: {  	v3 =	vld [tilespmem:s31+$0x30]  }
0x74: {  	v4 =	vld [tilespmem:s31+$0x4E50];
	_ =	sdelay $0x1  }
0x75: {  	vm13 =	vge.f32 v1, $0.0e+00  }
0x76: {  	v1 =	vsel vm13, $0x3F800000, v2;
	v2 =	vpop (erf)  }
0x77: {  	v1 =	vmul.f32 v2, v1;
	_ =	sdelay $0x1  }
0x78: {  	[tilespmem:s31+$0xEA80] =	vst v1  }
0x79: {  	v1 =	vld.idx.msk [tilespmem:v3+s17+$0x0], $0xffff  }
0x7a: {  	v2 =	vld.idx.msk [tilespmem:v4+s18+$0x0], $0xffff;
	_ =	sdelay $0x4  }
0x7b: {  	v1 =	vadd.f32 v2, v1;
	_ =	sdelay $0x1  }
0x7c: {  	v2 =	vand.u32 $0x7FFFFFFF, v1  }
0x7d: {  	v2 =	vsub.f32 $0.0e+00, v2;
	_ =	sdelay $0x1  }
0x7e: {  	v2 =	vmul.f32 $1.442695020e+00, v2;
	_ =	sdelay $0x1  }
0x7f: {  	(erf) = vpow2.f32 v2;
	_ =	sdelay $0x8  }
0x80: {  	v2 =	vpop (erf)  }
0x81: {  	v3 =	vadd.f32 $1.000000000e+00, v2;
	_ =	sdelay $0x1  }
0x82: {  	(erf) = vrcp.f32 v3;
	_ =	sdelay $0x4  }
0x83: {  	v3 =	vld [tilespmem:s31+$0x40]  }
0x84: {  	v4 =	vld [tilespmem:s31+$0x4E60];
	_ =	sdelay $0x1  }
0x85: {  	vm14 =	vge.f32 v1, $0.0e+00  }
0x86: {  	v1 =	vsel vm14, $0x3F800000, v2;
	v2 =	vpop (erf)  }
0x87: {  	v1 =	vmul.f32 v2, v1;
	_ =	sdelay $0x1  }
0x88: {  	[tilespmem:s31+$0xEA90] =	vst v1  }
0x89: {  	v1 =	vld.idx.msk [tilespmem:v3+s17+$0x0], $0xffff  }
0x8a: {  	v2 =	vld.idx.msk [tilespmem:v4+s18+$0x0], $0xffff;
	_ =	sdelay $0x4  }
0x8b: {  	v1 =	vadd.f32 v2, v1;
	_ =	sdelay $0x1  }
0x8c: {  	v2 =	vand.u32 $0x7FFFFFFF, v1  }
0x8d: {  	v2 =	vsub.f32 $0.0e+00, v2;
	_ =	sdelay $0x1  }
0x8e: {  	v2 =	vmul.f32 $1.442695020e+00, v2;
	_ =	sdelay $0x1  }
0x8f: {  	(erf) = vpow2.f32 v2;
	_ =	sdelay $0x8  }
0x90: {  	v2 =	vpop (erf)  }
0x91: {  	v3 =	vadd.f32 $1.000000000e+00, v2;
	_ =	sdelay $0x1  }
0x92: {  	(erf) = vrcp.f32 v3;
	_ =	sdelay $0x7  }
0x93: {  	vm15 =	vge.f32 v1, $0.0e+00;
	v1 =	vmov s30  }
0x94: {  	v1 =	vmul.u32 $0x50, v1;
	v2 =	vsel vm15, $0x3F800000, v2;
	v3 =	vpop (erf)  }
0x95: {  	s0 =	simm.s32 $0x0;
	v2 =	vmul.f32 v3, v2  }
0x96: {  	v1 =	vbroadcast v1, $0x0;
	v3 =	vmov s0  }
0x97: {  	[tilespmem:s31+$0xEAA0] =	vst v2;
	v2 =	vand.u32 $0x78, v3  }
0x98: {  	v3 =	vand.u32 $0x7, v3;
	[tilespmem:s23], [sflag:$0x1] =	stream.indirect.gather [hbm4b:s10+s22], $0x40, s31, s22, $0xb8;
	v2 =	vadd.s32 v1, v2;
	[tilespmem:$0x1EB88] =	vst v63  }
0x99: {  	_ =	swait.ge [sflag:s24], $0x1400;
	v2 =	vor.u32 v3, v2  }
0x9a: {  	[sflag:s24] =	ssyncset.done $0x0  }
0x9b: {  	s2 =	simm.s32 $0x138A0;
	[sflag:s24] =	ssyncadd.s32 $0xFFFFEC00  }
0x9c: {  	v4 =	vld [tilespmem:s2+$0xFFFFFFF0]  }
0x9d: {  	v5 =	vld [tilespmem:s2+$0x10]  }
0x9e: {  	v7 =	vld.idx.msk [tilespmem:v2+s25+$0x0], $0xffff  }
0x9f: {  	v2 =	vld [tilespmem:s2+$0xFFFFFFE0]  }
0xa0: {  	v8 =	vld [tilespmem:s2+$0x0]  }
0xa1: {  	s16 =	simm.s32 $0x1  }
0xa2: {  	v3 =	vmov s16  }
0xa3: {  	v6 =	vand.u32 $0x78, v3;
	v9 =	vand.u32 $0x7, v3  }
0xa4: {  	s11 =	simm.s32 $0x138A0;
	v10 =	vadd.s32 v1, v6;
	v3 =	vmul.f32 v2, v7;
	v6 =	vmul.f32 v5, v7  }
0xa5: {  	s1 =	sadd.s32 $0x4E20, s31;
	s0 =	sadd.s32 $0xEA60, s31;
	s16 =	simm.s32 $0x2;
	v2 =	vor.u32 v9, v10;
	v5 =	vmul.f32 v4, v7;
	v4 =	vmul.f32 v8, v7  }
.LBB2_3:
0xa6: {  	p2 =	sne.s32 s16, $0x4F  }
0xa7: {  	[tilespmem:s2+$0x10] =	vst v6;
	s11 =	sadd.s32 $0x40, s11;
	s6 =	smov.u32 s16;
	s16 =	sadd.s32 $0x1, s16  }
0xa8: {  	[tilespmem:s2+$0xFFFFFFE0] =	vst v3  }
0xa9: {  	v7 =	vld [tilespmem:s11+$0xFFFFFFF0];
	[tilespmem:s2+$0xFFFFFFF0] =	vst v5  }
0xaa: {  	v5 =	vld [tilespmem:s11+$0x10];
	[tilespmem:s2+$0x0] =	vst v4;
	s2 =	smov.u32 s11  }
0xab: {  	v4 =	vld.idx.msk [tilespmem:v2+s25+$0x0], $0xffff  }
0xac: {  	v2 =	vld [tilespmem:s11+$0xFFFFFFE0]  }
0xad: {  	v8 =	vld [tilespmem:s11+$0x0]  }
.Ltmp4:
0xae: {  	(pc) =	sbr.rel @p2 .LBB2_3-.Ltmp4, $4  }
0xaf: {  	v3 =	vmov s6  }
0xb0: {  	v6 =	vand.u32 $0x78, v3;
	v9 =	vand.u32 $0x7, v3  }
0xb1: {  	v10 =	vadd.s32 v1, v6;
	v6 =	vmul.f32 v5, v4;
	v3 =	vmul.f32 v2, v4  }
0xb2: {  	v5 =	vmul.f32 v7, v4;
	v2 =	vor.u32 v9, v10;
	v4 =	vmul.f32 v8, v4  }
0xb3: {  	[tilespmem:s2+$0x10] =	vst v6  }
0xb4: {  	s6 =	sadd.s32 $0x40, s11;
	[tilespmem:s2+$0xFFFFFFE0] =	vst v3  }
0xb5: {  	v1 =	vld [tilespmem:s6+$0xFFFFFFF0];
	[tilespmem:s2+$0xFFFFFFF0] =	vst v5  }
0xb6: {  	v3 =	vld [tilespmem:s6+$0x10];
	[tilespmem:s2+$0x0] =	vst v4  }
0xb7: {  	v2 =	vld.idx.msk [tilespmem:v2+s25+$0x0], $0xffff  }
0xb8: {  	v4 =	vld [tilespmem:s6+$0xFFFFFFE0];
	_ =	sdelay $0x1  }
0xb9: {  	v5 =	vld [tilespmem:s6+$0x0];
	_ =	sdelay $0x1  }
0xba: {  	v3 =	vmul.f32 v3, v2  }
0xbb: {  	v4 =	vmul.f32 v4, v2  }
0xbc: {  	v1 =	vmul.f32 v1, v2;
	[tilespmem:s6+$0x10] =	vst v3  }
0xbd: {  	v2 =	vmul.f32 v5, v2;
	[tilespmem:s6+$0xFFFFFFE0] =	vst v4  }
0xbe: {  	[tilespmem:s6+$0xFFFFFFF0] =	vst v1  }
.Ltmp5:
0xbf: {  	[tilespmem:s6+$0x0] =	vst v2;
	(pc) =	sbr.rel @p1 .LBB2_9-.Ltmp5, $4  }
0xc0: {  	[spmem:s3] =	stream.indirect.scatter.add.f32 [tilespmem:s23], [sflag:$0x3], $0x40, s1, s22, $0xb8;
	[tilespmem:$0x1EB88] =	vst v63  }
0xc1: {  	_ =	swait.ge [sflag:s26], $0x1400  }
0xc2: {  	s30 =	sadd.s32 $0x1, s30;
	[sflag:s26] =	ssyncset.done $0x0  }
0xc3: {  	p2 =	seq.s32 s30, $0xFA;
	[sflag:s26] =	ssyncadd.s32 $0xFFFFEC00  }
.Ltmp6:
0xc4: {  	(pc) =	sbr.rel @!p2 .LBB2_2-.Ltmp6, $4  }
0xc5: {  	[spmem:s4] =	stream.indirect.scatter.add.f32 [tilespmem:s0], [sflag:$0x3], $0x1, s31, s22, $0xb8;
	[tilespmem:$0x1EB88] =	vst v63  }
0xc6: {  	_ =	swait.ge [sflag:s26], $0x50  }
0xc7: {  	[sflag:s26] =	ssyncset.done $0x0  }
0xc8: {  	[sflag:s26] =	ssyncadd.s32 $0xFFFFFFB0  }
.Ltmp7:
0xc9: {  	s0 =	rddreg [dreg:$0x8];
	(pc) =	sbr.rel .LBB2_7-.Ltmp7, $4  }
0xca: {  	[hbm4b:s0+s5] =	stream.linear.scatter [tilespmem:s25], [sflag:$0x2], $0x4E20, $0x38;
	[tilespmem:$0x1EB88] =	vst v63  }
0xcb: {  	_ =	swait.ge [sflag:s15], $0x4E20  }
0xcc: {  	[sflag:s15] =	ssyncset.done $0x0  }
0xcd: {  	[sflag:s15] =	ssyncadd.s32 $0xFFFFB1E0  }
.LBB2_8:
0xce: {  	_ =	sfence.sel $0x180000  }
0xcf: {  	[bflag:$0x0] =	sbarrier.arrive $0xFFFF  }
0xd0: {  	_ =	strace $0x90000047  }
0xd1: {  	[bflag:$0x2] =	sbarrier.arrive $0xFFFF  }
0xd2: {  	s0 =	rddreg [dreg:$0x6]  }
0xd3: {  	s0 =	sadd.s32 @!p0 $0x100000, s0  }
0xd4: {  	[sflag:s0] =	ssyncadd.tile.s32 @!p0 $0x1;
	_ =	shalt  }
.Lfunc_end2:
_tile_overlayer_lowered:
.L_overlay_start_2:
0xd5: {  	(tag) =	ssettag $0x2  }
0xd6: {  	s0 =	rddreg [dreg:$0x0];
	s2 =	stileid.u32  }
0xd7: {  	s1 =	rddreg [dreg:$0x1];
	p0 =	sne.s32 s2, $0x0  }
0xd8: {  	s3 =	rddreg [dreg:$0x2];
	[bflag:$0x3] =	sbarrier.arrive $0xFFFF;
	s2 =	simm.s32 @!p0 $0x1C02  }
0xd9: {  	[timem:s3], [sflag:s2] =	dma.local @!p0 [hbm:s0], s1  }
0xda: {  	s0 =	simm.s32 @!p0 $0x2  }
0xdb: {  	_ =	swait.ge @!p0 [sflag:s0], s1  }
0xdc: {  	s1 =	ssub.s32 @!p0 $0x0, s1;
	[sflag:s0] =	ssyncset.done @!p0 $0x0  }
0xdd: {  	[sflag:s0] =	ssyncadd.s32 @!p0 s1  }
0xde: {  	[bflag:$0x3] =	sbarrier.arrive $0xFFFF  }
0xdf: {  	_ =	shalt  }

</sc_bundles>
